<compile_context>
chip_gen: v7x
topology: tpu7x:2x2x1
jax: 0.10.2.dev20260603
libtpu: 0.0.44.dev20260713+nightly
codegen_flags: <defaults>
</compile_context>

<pallas_src>
import functools

import jax
import jax.numpy as jnp
from jax import lax
from jax.experimental import pallas as pl
from jax.experimental.pallas import tpu as pltpu
from jax.experimental.pallas import tpu_sc as plsc

N = 10000
NX = 10128
E = 320000
D = 128
NC = 2
NS = 16
NW = NC * NS
K = 128
ITERS = 80
HH = ITERS // 2
EP = NW * ITERS * K
RPT = 632


def _sc_aggregate(x_ext, src_rs, dst_rs, z128):
    mesh = plsc.VectorSubcoreMesh(core_axis_name="c", subcore_axis_name="s")

    @functools.partial(
        pl.kernel,
        out_type=jax.ShapeDtypeStruct((NC, N, D), jnp.float32),
        mesh=mesh,
        scratch_types=[
            pltpu.VMEM_SHARED((NX, D), jnp.float32),
            pltpu.VMEM((HH, K), jnp.int32),
            pltpu.VMEM((HH, K), jnp.int32),
            pltpu.VMEM((K, D), jnp.float32),
            pltpu.VMEM((K, D), jnp.float32),
            pltpu.SemaphoreType.DMA,
            pltpu.SemaphoreType.DMA,
            pltpu.SemaphoreType.DMA,
            pltpu.SemaphoreType.DMA,
        ],
    )
    def sc_kernel(x_hbm, src_hbm, dst_hbm, z128_hbm,
                  p_hbm, acc_sh, sidx, didx, rows0, rows1,
                  sg0, sg1, ss0, ss1):
        c = lax.axis_index("c")
        s = lax.axis_index("s")
        wid = s * NC + c
        row0 = pl.multiple_of(jnp.minimum(s * RPT, N - RPT), 8)

        pltpu.sync_copy(z128_hbm.at[pl.ds(row0, RPT)], acc_sh.at[pl.ds(row0, RPT)])
        plsc.subcore_barrier()

        def gather(t, rows, sem):
            return pltpu.async_copy(x_hbm.at[sidx.at[t]], rows, sem)

        def scatter(t, rows, sem):
            return pltpu.async_copy(rows, acc_sh.at[didx.at[t]], sem, add=True)

        def run_half(h):
            pltpu.sync_copy(src_hbm.at[wid, pl.ds(h * HH, HH)], sidx)
            pltpu.sync_copy(dst_hbm.at[wid, pl.ds(h * HH, HH)], didx)
            gather(0, rows0, sg0)

            def body(t, carry):
                i0 = 2 * t
                pltpu.make_async_copy(x_hbm.at[sidx.at[i0]], rows0, sg0).wait()
                scatter(i0, rows0, ss0)

                @pl.when(t > 0)
                def _():
                    pltpu.make_async_copy(rows1, acc_sh.at[didx.at[i0]], ss1).wait()

                gather(i0 + 1, rows1, sg1)
                pltpu.make_async_copy(x_hbm.at[sidx.at[i0 + 1]], rows1, sg1).wait()
                scatter(i0 + 1, rows1, ss1)
                pltpu.make_async_copy(rows0, acc_sh.at[didx.at[i0]], ss0).wait()

                @pl.when(t < HH // 2 - 1)
                def _():
                    gather(i0 + 2, rows0, sg0)

                return carry

            lax.fori_loop(0, HH // 2, body, 0)
            pltpu.make_async_copy(rows1, acc_sh.at[didx.at[0]], ss1).wait()

        run_half(0)
        run_half(1)
        plsc.subcore_barrier()

        pltpu.sync_copy(acc_sh.at[pl.ds(row0, RPT)], p_hbm.at[c, pl.ds(row0, RPT)])

    return sc_kernel(x_ext, src_rs, dst_rs, z128)


BLK = 1000
GRID = N // BLK


def _tc_body(x_ref, p0_ref, p1_ref,
             w1_ref, b1_ref, w2_ref, b2_ref, tfv_ref,
             wt1_ref, bt1_ref, wt2_ref, bt2_ref,
             wp1_ref, bp1_ref, wp2_ref, bp2_ref,
             out_ref, acc_ref):
    i = pl.program_id(0)
    s = x_ref[...] + p0_ref[...] + p1_ref[...]
    dn = (((1,), (1,)), ((), ()))
    pre = lax.dot_general(s, w1_ref[...], dn,
                          preferred_element_type=jnp.float32) + b1_ref[...]
    a = jnp.maximum(pre, 0.0)
    b = lax.dot_general(a, w2_ref[...], dn,
                        preferred_element_type=jnp.float32) + b2_ref[...]
    b = jnp.maximum(b, 0.0)
    part = jnp.sum(b, axis=0, keepdims=True)

    @pl.when(i == 0)
    def _():
        acc_ref[...] = part

    @pl.when(i > 0)
    def _():
        acc_ref[...] = acc_ref[...] + part

    @pl.when(i == GRID - 1)
    def _():
        drug = acc_ref[...] * (1.0 / N)
        t = tfv_ref[...]
        te = jnp.maximum(
            lax.dot_general(t, wt1_ref[...], dn,
                            preferred_element_type=jnp.float32) + bt1_ref[...],
            0.0)
        te = lax.dot_general(te, wt2_ref[...], dn,
                             preferred_element_type=jnp.float32) + bt2_ref[...]
        z = jnp.concatenate([drug, te], axis=-1)
        pz = jnp.maximum(
            lax.dot_general(z, wp1_ref[...], dn,
                            preferred_element_type=jnp.float32) + bp1_ref[...],
            0.0)
        q = jnp.sum(pz * wp2_ref[...], axis=1, keepdims=True) + bp2_ref[0, 0]
        out_ref[...] = 1.0 / (1.0 + jnp.exp(-q))


def _tc_dense(x, p0, p1, W_d1, b_d1, W_d2, b_d2, tfv,
              W_t1, b_t1, W_t2, b_t2, W_p1, b_p1, W_p2, b_p2):
    row_spec = pl.BlockSpec((BLK, D), lambda i: (i, 0))

    def full(a):
        return pl.BlockSpec(a.shape, lambda i: tuple(0 for _ in a.shape))

    weights = [W_d1, b_d1, W_d2, b_d2, tfv, W_t1, b_t1, W_t2, b_t2,
               W_p1, b_p1, W_p2]
    return pl.pallas_call(
        _tc_body,
        grid=(GRID,),
        in_specs=[row_spec, row_spec, row_spec]
                 + [full(w) for w in weights]
                 + [pl.BlockSpec(memory_space=pltpu.SMEM)],
        out_specs=pl.BlockSpec((1, 1), lambda i: (0, 0)),
        out_shape=jax.ShapeDtypeStruct((1, 1), jnp.float32),
        scratch_shapes=[pltpu.VMEM((1, D), jnp.float32)],
    )(x, p0, p1, *weights, b_p2)


def kernel(x, edge_index, target_feat_vec, W_d1, b_d1, W_d2, b_d2,
           W_t1, b_t1, W_t2, b_t2, W_p1, b_p1, W_p2, b_p2):
    pad_pos = jnp.arange(EP - E, dtype=jnp.int32)
    src_rs = jnp.concatenate([edge_index[0], pad_pos % N]).reshape(NW, ITERS, K)
    dst_rs = jnp.concatenate([edge_index[1], N + pad_pos % (NX - N)]
                             ).reshape(NW, ITERS, K)
    z128 = jnp.zeros((N, D), jnp.float32)

    p = _sc_aggregate(x, src_rs, dst_rs, z128)

    out = _tc_dense(
        x, p[0], p[1],
        W_d1, b_d1[None, :], W_d2, b_d2[None, :],
        target_feat_vec[None, :],
        W_t1, b_t1[None, :], W_t2, b_t2[None, :],
        W_p1, b_p1[None, :], W_p2, b_p2[None, :])
    return out

# --- scband reference (transcript-rebuilt; emitter-appended) ---
"""Pipeline reference for scband-drug-target-predictor-352187319175 (READ-ONLY COPY).

The authoritative reference and input builder live on the scoring server;
editing this copy changes nothing except your own understanding.
"""

import jax, jax.numpy as jnp
import numpy as np

N, E, DF, TF, H = 10000, 320000, 128, 128, 128

def setup_inputs(seed: int = 0) -> dict:
    key = jax.random.key(seed)
    ks = jax.random.split(key, 16)
    x = jax.random.normal(ks[0], (N, DF), dtype=jnp.float32)
    edge_index = jax.random.randint(ks[1], (2, E), 0, N, dtype=jnp.int32)
    target_feat_vec = jax.random.normal(ks[2], (TF,), dtype=jnp.float32)
    W_d1 = jax.random.normal(ks[3], (H, DF), dtype=jnp.float32) * 0.05
    b_d1 = jnp.zeros((H,), dtype=jnp.float32)
    W_d2 = jax.random.normal(ks[4], (H, H), dtype=jnp.float32) * 0.05
    b_d2 = jnp.zeros((H,), dtype=jnp.float32)
    W_t1 = jax.random.normal(ks[5], (H, TF), dtype=jnp.float32) * 0.05
    b_t1 = jnp.zeros((H,), dtype=jnp.float32)
    W_t2 = jax.random.normal(ks[6], (H, H), dtype=jnp.float32) * 0.05
    b_t2 = jnp.zeros((H,), dtype=jnp.float32)
    W_p1 = jax.random.normal(ks[7], (H, 2 * H), dtype=jnp.float32) * 0.05
    b_p1 = jnp.zeros((H,), dtype=jnp.float32)
    W_p2 = jax.random.normal(ks[8], (1, H), dtype=jnp.float32) * 0.05
    b_p2 = jnp.zeros((1,), dtype=jnp.float32)
    return {"x": x, "edge_index": edge_index, "target_feat_vec": target_feat_vec,
            "W_d1": W_d1, "b_d1": b_d1, "W_d2": W_d2, "b_d2": b_d2,
            "W_t1": W_t1, "b_t1": b_t1, "W_t2": W_t2, "b_t2": b_t2,
            "W_p1": W_p1, "b_p1": b_p1, "W_p2": W_p2, "b_p2": b_p2}

def reference(x, edge_index, target_feat_vec, W_d1, b_d1, W_d2, b_d2, W_t1, b_t1, W_t2, b_t2, W_p1, b_p1, W_p2, b_p2):
    n = x.shape[0]
    src, dst = edge_index[0], edge_index[1]
    loop = jnp.arange(n, dtype=edge_index.dtype)
    sa = jnp.concatenate([src, loop])
    da = jnp.concatenate([dst, loop])
    h = x @ W_d1.T + b_d1
    gathered = jnp.take(h, sa, axis=0)
    out = jnp.zeros((n, h.shape[1]), dtype=h.dtype).at[da].add(gathered)
    drug_emb = jnp.mean(jax.nn.relu(jax.nn.relu(out) @ W_d2.T + b_d2), axis=0, keepdims=True)
    t = target_feat_vec[None, :]
    target_emb = jax.nn.relu(t @ W_t1.T + b_t1) @ W_t2.T + b_t2
    z = jnp.concatenate([drug_emb, target_emb], axis=-1)
    p = jax.nn.relu(z @ W_p1.T + b_p1) @ W_p2.T + b_p2
    return jax.nn.sigmoid(p)

if __name__ == "__main__":
    import jax
    _d = setup_inputs()
    print(jax.jit(kernel)(*tuple(_d.values())))

</pallas_src>

<mosaic_0001>
#map = affine_map<(d0, d1) -> (0, 0)>
#map1 = affine_map<(d0, d1) -> (0, 0, 0)>
module attributes {stable_mosaic.version = 14 : i64} {
  func.func @sc_kernel(%arg0: i32, %arg1: i32, %arg2: memref<10000x128xf32, #tpu.memory_space<hbm>>, %arg3: memref<32x80x128xi32, #tpu.memory_space<hbm>>, %arg4: memref<32x80x128xi32, #tpu.memory_space<hbm>>, %arg5: memref<10000x128xf32, #tpu.memory_space<hbm>>, %arg6: memref<2x10000x128xf32, #tpu.memory_space<hbm>>, %arg7: memref<10128x128xf32, #tpu.memory_space<vmem_shared>>, %arg8: memref<40x128xi32, #tpu.memory_space<vmem>>, %arg9: memref<40x128xi32, #tpu.memory_space<vmem>>, %arg10: memref<128x128xf32, #tpu.memory_space<vmem>>, %arg11: memref<128x128xf32, #tpu.memory_space<vmem>>, %arg12: memref<!tpu.dma_semaphore, #tpu.memory_space<semaphore_mem>>, %arg13: memref<!tpu.dma_semaphore, #tpu.memory_space<semaphore_mem>>, %arg14: memref<!tpu.dma_semaphore, #tpu.memory_space<semaphore_mem>>, %arg15: memref<!tpu.dma_semaphore, #tpu.memory_space<semaphore_mem>>) attributes {dimension_semantics = [#tpu.dimension_semantics<core_parallel>, #tpu.dimension_semantics<subcore_parallel>], iteration_bounds = array<i64: 2, 16>, scalar_prefetch = 0 : i64, scratch_operands = 9 : i64, tpu.core_type = #tpu.core_type<sc_vector_subcore>, window_params = [{transform_indices = #map}, {transform_indices = #map1}, {transform_indices = #map1}, {transform_indices = #map}, {transform_indices = #map1}]} {
    %mul3A = arith.constant 2 : i32
    %mul3A_0 = arith.muli %arg1, %mul3A : i32
    %add3A = arith.addi %mul3A_0, %arg0 : i32
    %mul3A_1 = arith.constant 632 : i32
    %mul3A_2 = arith.muli %arg1, %mul3A_1 : i32
    %min3A = arith.constant 9368 : i32
    %min3A_3 = arith.minsi %mul3A_2, %min3A : i32
    %multiple_of3A = tpu.assume_multiple %min3A_3, 8 : i32
    "tpu.region"() ({
      %run_scoped3A = tpu.sem_alloc : memref<!tpu.dma_semaphore, #tpu.memory_space<semaphore_mem>>
      %dma_start3A_42 = arith.constant 0 : i32
      %dma_start3A_43 = tpu.memref_slice %arg7[%multiple_of3A, %dma_start3A_42] : memref<10128x128xf32, #tpu.memory_space<vmem_shared>> -> memref<632x128xf32, #tpu.memory_space<vmem_shared>>
      %dma_start3A_44 = arith.constant 0 : i32
      %dma_start3A_45 = tpu.memref_slice %arg5[%multiple_of3A, %dma_start3A_44] : memref<10000x128xf32, #tpu.memory_space<hbm>> -> memref<632x128xf32, #tpu.memory_space<hbm>>
      tpu.enqueue_dma source(%dma_start3A_45 : memref<632x128xf32, #tpu.memory_space<hbm>>) target(%dma_start3A_43 : memref<632x128xf32, #tpu.memory_space<vmem_shared>>) target_semaphore(%run_scoped3A : memref<!tpu.dma_semaphore, #tpu.memory_space<semaphore_mem>>)
      %dma_wait3A_46 = arith.constant 0 : i32
      %dma_wait3A_47 = tpu.memref_slice %arg7[%multiple_of3A, %dma_wait3A_46] : memref<10128x128xf32, #tpu.memory_space<vmem_shared>> -> memref<632x128xf32, #tpu.memory_space<vmem_shared>>
      %dma_wait3A_48 = arith.constant 0 : i32
      %dma_wait3A_49 = tpu.memref_slice %arg5[%multiple_of3A, %dma_wait3A_48] : memref<10000x128xf32, #tpu.memory_space<hbm>> -> memref<632x128xf32, #tpu.memory_space<hbm>>
      tpu.wait_dma2 semaphore(%run_scoped3A : memref<!tpu.dma_semaphore, #tpu.memory_space<semaphore_mem>>) src(%dma_wait3A_49 : memref<632x128xf32, #tpu.memory_space<hbm>>) dst(%dma_wait3A_47 : memref<632x128xf32, #tpu.memory_space<vmem_shared>>)
      tpu.yield
    }) : () -> ()
    %barrier3A = arith.constant 0 : index
    tpu.barrier barrier_id(%barrier3A)
    "tpu.region"() ({
      %run_scoped3A = tpu.sem_alloc : memref<!tpu.dma_semaphore, #tpu.memory_space<semaphore_mem>>
      %dma_start3A_42 = arith.constant 0 : i32
      %dma_start3A_43 = arith.constant 0 : i32
      %dma_start3A_44 = tpu.memref_slice %arg3[%add3A, %dma_start3A_42, %dma_start3A_43] : memref<32x80x128xi32, #tpu.memory_space<hbm>> -> memref<1x40x128xi32, #tpu.memory_space<hbm>>
      %dma_start3A_45 = tpu.memref_squeeze %dma_start3A_44 : memref<1x40x128xi32, #tpu.memory_space<hbm>> -> memref<40x128xi32, #tpu.memory_space<hbm>>
      %dma_start3A_46 = arith.constant 0 : i32
      %dma_start3A_47 = arith.constant 0 : i32
      %dma_start3A_48 = tpu.memref_slice %arg3[%add3A, %dma_start3A_46, %dma_start3A_47] : memref<32x80x128xi32, #tpu.memory_space<hbm>> -> memref<1x40x128xi32, #tpu.memory_space<hbm>>
      %dma_start3A_49 = tpu.memref_squeeze %dma_start3A_48 : memref<1x40x128xi32, #tpu.memory_space<hbm>> -> memref<40x128xi32, #tpu.memory_space<hbm>>
      tpu.enqueue_dma source(%dma_start3A_49 : memref<40x128xi32, #tpu.memory_space<hbm>>) target(%arg8 : memref<40x128xi32, #tpu.memory_space<vmem>>) target_semaphore(%run_scoped3A : memref<!tpu.dma_semaphore, #tpu.memory_space<semaphore_mem>>)
      %dma_wait3A_50 = arith.constant 0 : i32
      %dma_wait3A_51 = arith.constant 0 : i32
      %dma_wait3A_52 = tpu.memref_slice %arg3[%add3A, %dma_wait3A_50, %dma_wait3A_51] : memref<32x80x128xi32, #tpu.memory_space<hbm>> -> memref<1x40x128xi32, #tpu.memory_space<hbm>>
      %dma_wait3A_53 = tpu.memref_squeeze %dma_wait3A_52 : memref<1x40x128xi32, #tpu.memory_space<hbm>> -> memref<40x128xi32, #tpu.memory_space<hbm>>
      %dma_wait3A_54 = arith.constant 0 : i32
      %dma_wait3A_55 = arith.constant 0 : i32
      %dma_wait3A_56 = tpu.memref_slice %arg3[%add3A, %dma_wait3A_54, %dma_wait3A_55] : memref<32x80x128xi32, #tpu.memory_space<hbm>> -> memref<1x40x128xi32, #tpu.memory_space<hbm>>
      %dma_wait3A_57 = tpu.memref_squeeze %dma_wait3A_56 : memref<1x40x128xi32, #tpu.memory_space<hbm>> -> memref<40x128xi32, #tpu.memory_space<hbm>>
      tpu.wait_dma2 semaphore(%run_scoped3A : memref<!tpu.dma_semaphore, #tpu.memory_space<semaphore_mem>>) src(%dma_wait3A_57 : memref<40x128xi32, #tpu.memory_space<hbm>>) dst(%arg8 : memref<40x128xi32, #tpu.memory_space<vmem>>)
      tpu.yield
    }) : () -> ()
    "tpu.region"() ({
      %run_scoped3A = tpu.sem_alloc : memref<!tpu.dma_semaphore, #tpu.memory_space<semaphore_mem>>
      %dma_start3A_42 = arith.constant 0 : i32
      %dma_start3A_43 = arith.constant 0 : i32
      %dma_start3A_44 = tpu.memref_slice %arg4[%add3A, %dma_start3A_42, %dma_start3A_43] : memref<32x80x128xi32, #tpu.memory_space<hbm>> -> memref<1x40x128xi32, #tpu.memory_space<hbm>>
      %dma_start3A_45 = tpu.memref_squeeze %dma_start3A_44 : memref<1x40x128xi32, #tpu.memory_space<hbm>> -> memref<40x128xi32, #tpu.memory_space<hbm>>
      %dma_start3A_46 = arith.constant 0 : i32
      %dma_start3A_47 = arith.constant 0 : i32
      %dma_start3A_48 = tpu.memref_slice %arg4[%add3A, %dma_start3A_46, %dma_start3A_47] : memref<32x80x128xi32, #tpu.memory_space<hbm>> -> memref<1x40x128xi32, #tpu.memory_space<hbm>>
      %dma_start3A_49 = tpu.memref_squeeze %dma_start3A_48 : memref<1x40x128xi32, #tpu.memory_space<hbm>> -> memref<40x128xi32, #tpu.memory_space<hbm>>
      tpu.enqueue_dma source(%dma_start3A_49 : memref<40x128xi32, #tpu.memory_space<hbm>>) target(%arg9 : memref<40x128xi32, #tpu.memory_space<vmem>>) target_semaphore(%run_scoped3A : memref<!tpu.dma_semaphore, #tpu.memory_space<semaphore_mem>>)
      %dma_wait3A_50 = arith.constant 0 : i32
      %dma_wait3A_51 = arith.constant 0 : i32
      %dma_wait3A_52 = tpu.memref_slice %arg4[%add3A, %dma_wait3A_50, %dma_wait3A_51] : memref<32x80x128xi32, #tpu.memory_space<hbm>> -> memref<1x40x128xi32, #tpu.memory_space<hbm>>
      %dma_wait3A_53 = tpu.memref_squeeze %dma_wait3A_52 : memref<1x40x128xi32, #tpu.memory_space<hbm>> -> memref<40x128xi32, #tpu.memory_space<hbm>>
      %dma_wait3A_54 = arith.constant 0 : i32
      %dma_wait3A_55 = arith.constant 0 : i32
      %dma_wait3A_56 = tpu.memref_slice %arg4[%add3A, %dma_wait3A_54, %dma_wait3A_55] : memref<32x80x128xi32, #tpu.memory_space<hbm>> -> memref<1x40x128xi32, #tpu.memory_space<hbm>>
      %dma_wait3A_57 = tpu.memref_squeeze %dma_wait3A_56 : memref<1x40x128xi32, #tpu.memory_space<hbm>> -> memref<40x128xi32, #tpu.memory_space<hbm>>
      tpu.wait_dma2 semaphore(%run_scoped3A : memref<!tpu.dma_semaphore, #tpu.memory_space<semaphore_mem>>) src(%dma_wait3A_57 : memref<40x128xi32, #tpu.memory_space<hbm>>) dst(%arg9 : memref<40x128xi32, #tpu.memory_space<vmem>>)
      tpu.yield
    }) : () -> ()
    %dma_start3A = arith.constant 0 : i32
    %dma_start3A_4 = arith.constant 0 : i32
    %dma_start3A_5 = tpu.memref_slice %arg8[%dma_start3A, %dma_start3A_4] : memref<40x128xi32, #tpu.memory_space<vmem>> -> memref<1x128xi32, #tpu.memory_space<vmem>>
    %dma_start3A_6 = tpu.memref_squeeze %dma_start3A_5 : memref<1x128xi32, #tpu.memory_space<vmem>> -> memref<128xi32, #tpu.memory_space<vmem>>
    %dma_start3A_7 = arith.constant 0 : i32
    %dma_start3A_8 = arith.constant 0 : i32
    %dma_start3A_9 = tpu.memref_slice %arg2[%dma_start3A_7, %dma_start3A_8] : memref<10000x128xf32, #tpu.memory_space<hbm>> -> memref<10000x128xf32, #tpu.memory_space<hbm>>
    tpu.enqueue_indirect_dma source(%dma_start3A_9 : memref<10000x128xf32, #tpu.memory_space<hbm>>) target(%arg10 : memref<128x128xf32, #tpu.memory_space<vmem>>) offsets(%dma_start3A_6 : memref<128xi32, #tpu.memory_space<vmem>>) semaphore(%arg12 : memref<!tpu.dma_semaphore, #tpu.memory_space<semaphore_mem>>)
    %scan3A = arith.constant 0 : i32
    %scan3A_10 = arith.constant 0 : i32
    %scan3A_11 = arith.constant 20 : i32
    %scan3A_12 = arith.addi %scan3A_10, %scan3A_11 : i32
    %scan3A_13 = arith.constant 1 : i32
    scf.for %scan3A_42 = %scan3A_10 to %scan3A_12 step %scan3A_13  : i32 {
      %mul3A_43 = arith.constant 2 : i32
      %mul3A_44 = arith.muli %mul3A_43, %scan3A_42 : i32
      %dma_wait3A_45 = arith.constant 0 : i32
      %dma_wait3A_46 = tpu.memref_slice %arg8[%mul3A_44, %dma_wait3A_45] : memref<40x128xi32, #tpu.memory_space<vmem>> -> memref<1x128xi32, #tpu.memory_space<vmem>>
      %dma_wait3A_47 = tpu.memref_squeeze %dma_wait3A_46 : memref<1x128xi32, #tpu.memory_space<vmem>> -> memref<128xi32, #tpu.memory_space<vmem>>
      %dma_wait3A_48 = arith.constant 0 : i32
      %dma_wait3A_49 = arith.constant 0 : i32
      %dma_wait3A_50 = tpu.memref_slice %arg2[%dma_wait3A_48, %dma_wait3A_49] : memref<10000x128xf32, #tpu.memory_space<hbm>> -> memref<10000x128xf32, #tpu.memory_space<hbm>>
      tpu.wait_indirect_dma semaphore(%arg12 : memref<!tpu.dma_semaphore, #tpu.memory_space<semaphore_mem>>) src(%dma_wait3A_50 : memref<10000x128xf32, #tpu.memory_space<hbm>>) dst(%arg10 : memref<128x128xf32, #tpu.memory_space<vmem>>)
      %dma_start3A_51 = arith.constant 0 : i32
      %dma_start3A_52 = tpu.memref_slice %arg9[%mul3A_44, %dma_start3A_51] : memref<40x128xi32, #tpu.memory_space<vmem>> -> memref<1x128xi32, #tpu.memory_space<vmem>>
      %dma_start3A_53 = tpu.memref_squeeze %dma_start3A_52 : memref<1x128xi32, #tpu.memory_space<vmem>> -> memref<128xi32, #tpu.memory_space<vmem>>
      %dma_start3A_54 = arith.constant 0 : i32
      %dma_start3A_55 = arith.constant 0 : i32
      %dma_start3A_56 = tpu.memref_slice %arg7[%dma_start3A_54, %dma_start3A_55] : memref<10128x128xf32, #tpu.memory_space<vmem_shared>> -> memref<10128x128xf32, #tpu.memory_space<vmem_shared>>
      tpu.enqueue_indirect_dma source(%arg10 : memref<128x128xf32, #tpu.memory_space<vmem>>) target(%dma_start3A_56 : memref<10128x128xf32, #tpu.memory_space<vmem_shared>>) offsets(%dma_start3A_53 : memref<128xi32, #tpu.memory_space<vmem>>) semaphore(%arg14 : memref<!tpu.dma_semaphore, #tpu.memory_space<semaphore_mem>>) {add = true}
      %gt3A = arith.constant 0 : i32
      %gt3A_57 = arith.cmpi sgt, %scan3A_42, %gt3A : i32
      %convert_element_type3A = arith.extui %gt3A_57 : i1 to i32
      %cond3A = arith.constant 0 : i32
      %cond3A_58 = arith.cmpi ne, %convert_element_type3A, %cond3A : i32
      scf.if %cond3A_58 {
        %dma_wait3A_93 = arith.constant 0 : i32
        %dma_wait3A_94 = tpu.memref_slice %arg9[%mul3A_44, %dma_wait3A_93] : memref<40x128xi32, #tpu.memory_space<vmem>> -> memref<1x128xi32, #tpu.memory_space<vmem>>
        %dma_wait3A_95 = tpu.memref_squeeze %dma_wait3A_94 : memref<1x128xi32, #tpu.memory_space<vmem>> -> memref<128xi32, #tpu.memory_space<vmem>>
        %dma_wait3A_96 = arith.constant 0 : i32
        %dma_wait3A_97 = arith.constant 0 : i32
        %dma_wait3A_98 = tpu.memref_slice %arg7[%dma_wait3A_96, %dma_wait3A_97] : memref<10128x128xf32, #tpu.memory_space<vmem_shared>> -> memref<10128x128xf32, #tpu.memory_space<vmem_shared>>
        tpu.wait_indirect_dma semaphore(%arg15 : memref<!tpu.dma_semaphore, #tpu.memory_space<semaphore_mem>>) src(%arg11 : memref<128x128xf32, #tpu.memory_space<vmem>>) dst(%dma_wait3A_98 : memref<10128x128xf32, #tpu.memory_space<vmem_shared>>)
      } else {
      }
      %add3A_59 = arith.constant 1 : i32
      %add3A_60 = arith.addi %mul3A_44, %add3A_59 : i32
      %dma_start3A_61 = arith.constant 0 : i32
      %dma_start3A_62 = tpu.memref_slice %arg8[%add3A_60, %dma_start3A_61] : memref<40x128xi32, #tpu.memory_space<vmem>> -> memref<1x128xi32, #tpu.memory_space<vmem>>
      %dma_start3A_63 = tpu.memref_squeeze %dma_start3A_62 : memref<1x128xi32, #tpu.memory_space<vmem>> -> memref<128xi32, #tpu.memory_space<vmem>>
      %dma_start3A_64 = arith.constant 0 : i32
      %dma_start3A_65 = arith.constant 0 : i32
      %dma_start3A_66 = tpu.memref_slice %arg2[%dma_start3A_64, %dma_start3A_65] : memref<10000x128xf32, #tpu.memory_space<hbm>> -> memref<10000x128xf32, #tpu.memory_space<hbm>>
      tpu.enqueue_indirect_dma source(%dma_start3A_66 : memref<10000x128xf32, #tpu.memory_space<hbm>>) target(%arg11 : memref<128x128xf32, #tpu.memory_space<vmem>>) offsets(%dma_start3A_63 : memref<128xi32, #tpu.memory_space<vmem>>) semaphore(%arg13 : memref<!tpu.dma_semaphore, #tpu.memory_space<semaphore_mem>>)
      %add3A_67 = arith.constant 1 : i32
      %add3A_68 = arith.addi %mul3A_44, %add3A_67 : i32
      %dma_wait3A_69 = arith.constant 0 : i32
      %dma_wait3A_70 = tpu.memref_slice %arg8[%add3A_68, %dma_wait3A_69] : memref<40x128xi32, #tpu.memory_space<vmem>> -> memref<1x128xi32, #tpu.memory_space<vmem>>
      %dma_wait3A_71 = tpu.memref_squeeze %dma_wait3A_70 : memref<1x128xi32, #tpu.memory_space<vmem>> -> memref<128xi32, #tpu.memory_space<vmem>>
      %dma_wait3A_72 = arith.constant 0 : i32
      %dma_wait3A_73 = arith.constant 0 : i32
      %dma_wait3A_74 = tpu.memref_slice %arg2[%dma_wait3A_72, %dma_wait3A_73] : memref<10000x128xf32, #tpu.memory_space<hbm>> -> memref<10000x128xf32, #tpu.memory_space<hbm>>
      tpu.wait_indirect_dma semaphore(%arg13 : memref<!tpu.dma_semaphore, #tpu.memory_space<semaphore_mem>>) src(%dma_wait3A_74 : memref<10000x128xf32, #tpu.memory_space<hbm>>) dst(%arg11 : memref<128x128xf32, #tpu.memory_space<vmem>>)
      %add3A_75 = arith.constant 1 : i32
      %add3A_76 = arith.addi %mul3A_44, %add3A_75 : i32
      %dma_start3A_77 = arith.constant 0 : i32
      %dma_start3A_78 = tpu.memref_slice %arg9[%add3A_76, %dma_start3A_77] : memref<40x128xi32, #tpu.memory_space<vmem>> -> memref<1x128xi32, #tpu.memory_space<vmem>>
      %dma_start3A_79 = tpu.memref_squeeze %dma_start3A_78 : memref<1x128xi32, #tpu.memory_space<vmem>> -> memref<128xi32, #tpu.memory_space<vmem>>
      %dma_start3A_80 = arith.constant 0 : i32
      %dma_start3A_81 = arith.constant 0 : i32
      %dma_start3A_82 = tpu.memref_slice %arg7[%dma_start3A_80, %dma_start3A_81] : memref<10128x128xf32, #tpu.memory_space<vmem_shared>> -> memref<10128x128xf32, #tpu.memory_space<vmem_shared>>
      tpu.enqueue_indirect_dma source(%arg11 : memref<128x128xf32, #tpu.memory_space<vmem>>) target(%dma_start3A_82 : memref<10128x128xf32, #tpu.memory_space<vmem_shared>>) offsets(%dma_start3A_79 : memref<128xi32, #tpu.memory_space<vmem>>) semaphore(%arg15 : memref<!tpu.dma_semaphore, #tpu.memory_space<semaphore_mem>>) {add = true}
      %dma_wait3A_83 = arith.constant 0 : i32
      %dma_wait3A_84 = tpu.memref_slice %arg9[%mul3A_44, %dma_wait3A_83] : memref<40x128xi32, #tpu.memory_space<vmem>> -> memref<1x128xi32, #tpu.memory_space<vmem>>
      %dma_wait3A_85 = tpu.memref_squeeze %dma_wait3A_84 : memref<1x128xi32, #tpu.memory_space<vmem>> -> memref<128xi32, #tpu.memory_space<vmem>>
      %dma_wait3A_86 = arith.constant 0 : i32
      %dma_wait3A_87 = arith.constant 0 : i32
      %dma_wait3A_88 = tpu.memref_slice %arg7[%dma_wait3A_86, %dma_wait3A_87] : memref<10128x128xf32, #tpu.memory_space<vmem_shared>> -> memref<10128x128xf32, #tpu.memory_space<vmem_shared>>
      tpu.wait_indirect_dma semaphore(%arg14 : memref<!tpu.dma_semaphore, #tpu.memory_space<semaphore_mem>>) src(%arg10 : memref<128x128xf32, #tpu.memory_space<vmem>>) dst(%dma_wait3A_88 : memref<10128x128xf32, #tpu.memory_space<vmem_shared>>)
      %lt3A = arith.constant 19 : i32
      %lt3A_89 = arith.cmpi slt, %scan3A_42, %lt3A : i32
      %convert_element_type3A_90 = arith.extui %lt3A_89 : i1 to i32
      %cond3A_91 = arith.constant 0 : i32
      %cond3A_92 = arith.cmpi ne, %convert_element_type3A_90, %cond3A_91 : i32
      scf.if %cond3A_92 {
        %add3A_93 = arith.constant 2 : i32
        %add3A_94 = arith.addi %mul3A_44, %add3A_93 : i32
        %dma_start3A_95 = arith.constant 0 : i32
        %dma_start3A_96 = tpu.memref_slice %arg8[%add3A_94, %dma_start3A_95] : memref<40x128xi32, #tpu.memory_space<vmem>> -> memref<1x128xi32, #tpu.memory_space<vmem>>
        %dma_start3A_97 = tpu.memref_squeeze %dma_start3A_96 : memref<1x128xi32, #tpu.memory_space<vmem>> -> memref<128xi32, #tpu.memory_space<vmem>>
        %dma_start3A_98 = arith.constant 0 : i32
        %dma_start3A_99 = arith.constant 0 : i32
        %dma_start3A_100 = tpu.memref_slice %arg2[%dma_start3A_98, %dma_start3A_99] : memref<10000x128xf32, #tpu.memory_space<hbm>> -> memref<10000x128xf32, #tpu.memory_space<hbm>>
        tpu.enqueue_indirect_dma source(%dma_start3A_100 : memref<10000x128xf32, #tpu.memory_space<hbm>>) target(%arg10 : memref<128x128xf32, #tpu.memory_space<vmem>>) offsets(%dma_start3A_97 : memref<128xi32, #tpu.memory_space<vmem>>) semaphore(%arg12 : memref<!tpu.dma_semaphore, #tpu.memory_space<semaphore_mem>>)
      } else {
      }
    }
    %scan3A_14 = arith.constant 20 : i32
    %dma_wait3A = arith.constant 0 : i32
    %dma_wait3A_15 = arith.constant 0 : i32
    %dma_wait3A_16 = tpu.memref_slice %arg9[%dma_wait3A, %dma_wait3A_15] : memref<40x128xi32, #tpu.memory_space<vmem>> -> memref<1x128xi32, #tpu.memory_space<vmem>>
    %dma_wait3A_17 = tpu.memref_squeeze %dma_wait3A_16 : memref<1x128xi32, #tpu.memory_space<vmem>> -> memref<128xi32, #tpu.memory_space<vmem>>
    %dma_wait3A_18 = arith.constant 0 : i32
    %dma_wait3A_19 = arith.constant 0 : i32
    %dma_wait3A_20 = tpu.memref_slice %arg7[%dma_wait3A_18, %dma_wait3A_19] : memref<10128x128xf32, #tpu.memory_space<vmem_shared>> -> memref<10128x128xf32, #tpu.memory_space<vmem_shared>>
    tpu.wait_indirect_dma semaphore(%arg15 : memref<!tpu.dma_semaphore, #tpu.memory_space<semaphore_mem>>) src(%arg11 : memref<128x128xf32, #tpu.memory_space<vmem>>) dst(%dma_wait3A_20 : memref<10128x128xf32, #tpu.memory_space<vmem_shared>>)
    "tpu.region"() ({
      %run_scoped3A = tpu.sem_alloc : memref<!tpu.dma_semaphore, #tpu.memory_space<semaphore_mem>>
      %dma_start3A_42 = arith.constant 40 : i32
      %dma_start3A_43 = arith.constant 0 : i32
      %dma_start3A_44 = tpu.memref_slice %arg3[%add3A, %dma_start3A_42, %dma_start3A_43] : memref<32x80x128xi32, #tpu.memory_space<hbm>> -> memref<1x40x128xi32, #tpu.memory_space<hbm>>
      %dma_start3A_45 = tpu.memref_squeeze %dma_start3A_44 : memref<1x40x128xi32, #tpu.memory_space<hbm>> -> memref<40x128xi32, #tpu.memory_space<hbm>>
      %dma_start3A_46 = arith.constant 40 : i32
      %dma_start3A_47 = arith.constant 0 : i32
      %dma_start3A_48 = tpu.memref_slice %arg3[%add3A, %dma_start3A_46, %dma_start3A_47] : memref<32x80x128xi32, #tpu.memory_space<hbm>> -> memref<1x40x128xi32, #tpu.memory_space<hbm>>
      %dma_start3A_49 = tpu.memref_squeeze %dma_start3A_48 : memref<1x40x128xi32, #tpu.memory_space<hbm>> -> memref<40x128xi32, #tpu.memory_space<hbm>>
      tpu.enqueue_dma source(%dma_start3A_49 : memref<40x128xi32, #tpu.memory_space<hbm>>) target(%arg8 : memref<40x128xi32, #tpu.memory_space<vmem>>) target_semaphore(%run_scoped3A : memref<!tpu.dma_semaphore, #tpu.memory_space<semaphore_mem>>)
      %dma_wait3A_50 = arith.constant 40 : i32
      %dma_wait3A_51 = arith.constant 0 : i32
      %dma_wait3A_52 = tpu.memref_slice %arg3[%add3A, %dma_wait3A_50, %dma_wait3A_51] : memref<32x80x128xi32, #tpu.memory_space<hbm>> -> memref<1x40x128xi32, #tpu.memory_space<hbm>>
      %dma_wait3A_53 = tpu.memref_squeeze %dma_wait3A_52 : memref<1x40x128xi32, #tpu.memory_space<hbm>> -> memref<40x128xi32, #tpu.memory_space<hbm>>
      %dma_wait3A_54 = arith.constant 40 : i32
      %dma_wait3A_55 = arith.constant 0 : i32
      %dma_wait3A_56 = tpu.memref_slice %arg3[%add3A, %dma_wait3A_54, %dma_wait3A_55] : memref<32x80x128xi32, #tpu.memory_space<hbm>> -> memref<1x40x128xi32, #tpu.memory_space<hbm>>
      %dma_wait3A_57 = tpu.memref_squeeze %dma_wait3A_56 : memref<1x40x128xi32, #tpu.memory_space<hbm>> -> memref<40x128xi32, #tpu.memory_space<hbm>>
      tpu.wait_dma2 semaphore(%run_scoped3A : memref<!tpu.dma_semaphore, #tpu.memory_space<semaphore_mem>>) src(%dma_wait3A_57 : memref<40x128xi32, #tpu.memory_space<hbm>>) dst(%arg8 : memref<40x128xi32, #tpu.memory_space<vmem>>)
      tpu.yield
    }) : () -> ()
    "tpu.region"() ({
      %run_scoped3A = tpu.sem_alloc : memref<!tpu.dma_semaphore, #tpu.memory_space<semaphore_mem>>
      %dma_start3A_42 = arith.constant 40 : i32
      %dma_start3A_43 = arith.constant 0 : i32
      %dma_start3A_44 = tpu.memref_slice %arg4[%add3A, %dma_start3A_42, %dma_start3A_43] : memref<32x80x128xi32, #tpu.memory_space<hbm>> -> memref<1x40x128xi32, #tpu.memory_space<hbm>>
      %dma_start3A_45 = tpu.memref_squeeze %dma_start3A_44 : memref<1x40x128xi32, #tpu.memory_space<hbm>> -> memref<40x128xi32, #tpu.memory_space<hbm>>
      %dma_start3A_46 = arith.constant 40 : i32
      %dma_start3A_47 = arith.constant 0 : i32
      %dma_start3A_48 = tpu.memref_slice %arg4[%add3A, %dma_start3A_46, %dma_start3A_47] : memref<32x80x128xi32, #tpu.memory_space<hbm>> -> memref<1x40x128xi32, #tpu.memory_space<hbm>>
      %dma_start3A_49 = tpu.memref_squeeze %dma_start3A_48 : memref<1x40x128xi32, #tpu.memory_space<hbm>> -> memref<40x128xi32, #tpu.memory_space<hbm>>
      tpu.enqueue_dma source(%dma_start3A_49 : memref<40x128xi32, #tpu.memory_space<hbm>>) target(%arg9 : memref<40x128xi32, #tpu.memory_space<vmem>>) target_semaphore(%run_scoped3A : memref<!tpu.dma_semaphore, #tpu.memory_space<semaphore_mem>>)
      %dma_wait3A_50 = arith.constant 40 : i32
      %dma_wait3A_51 = arith.constant 0 : i32
      %dma_wait3A_52 = tpu.memref_slice %arg4[%add3A, %dma_wait3A_50, %dma_wait3A_51] : memref<32x80x128xi32, #tpu.memory_space<hbm>> -> memref<1x40x128xi32, #tpu.memory_space<hbm>>
      %dma_wait3A_53 = tpu.memref_squeeze %dma_wait3A_52 : memref<1x40x128xi32, #tpu.memory_space<hbm>> -> memref<40x128xi32, #tpu.memory_space<hbm>>
      %dma_wait3A_54 = arith.constant 40 : i32
      %dma_wait3A_55 = arith.constant 0 : i32
      %dma_wait3A_56 = tpu.memref_slice %arg4[%add3A, %dma_wait3A_54, %dma_wait3A_55] : memref<32x80x128xi32, #tpu.memory_space<hbm>> -> memref<1x40x128xi32, #tpu.memory_space<hbm>>
      %dma_wait3A_57 = tpu.memref_squeeze %dma_wait3A_56 : memref<1x40x128xi32, #tpu.memory_space<hbm>> -> memref<40x128xi32, #tpu.memory_space<hbm>>
      tpu.wait_dma2 semaphore(%run_scoped3A : memref<!tpu.dma_semaphore, #tpu.memory_space<semaphore_mem>>) src(%dma_wait3A_57 : memref<40x128xi32, #tpu.memory_space<hbm>>) dst(%arg9 : memref<40x128xi32, #tpu.memory_space<vmem>>)
      tpu.yield
    }) : () -> ()
    %dma_start3A_21 = arith.constant 0 : i32
    %dma_start3A_22 = arith.constant 0 : i32
    %dma_start3A_23 = tpu.memref_slice %arg8[%dma_start3A_21, %dma_start3A_22] : memref<40x128xi32, #tpu.memory_space<vmem>> -> memref<1x128xi32, #tpu.memory_space<vmem>>
    %dma_start3A_24 = tpu.memref_squeeze %dma_start3A_23 : memref<1x128xi32, #tpu.memory_space<vmem>> -> memref<128xi32, #tpu.memory_space<vmem>>
    %dma_start3A_25 = arith.constant 0 : i32
    %dma_start3A_26 = arith.constant 0 : i32
    %dma_start3A_27 = tpu.memref_slice %arg2[%dma_start3A_25, %dma_start3A_26] : memref<10000x128xf32, #tpu.memory_space<hbm>> -> memref<10000x128xf32, #tpu.memory_space<hbm>>
    tpu.enqueue_indirect_dma source(%dma_start3A_27 : memref<10000x128xf32, #tpu.memory_space<hbm>>) target(%arg10 : memref<128x128xf32, #tpu.memory_space<vmem>>) offsets(%dma_start3A_24 : memref<128xi32, #tpu.memory_space<vmem>>) semaphore(%arg12 : memref<!tpu.dma_semaphore, #tpu.memory_space<semaphore_mem>>)
    %scan3A_28 = arith.constant 0 : i32
    %scan3A_29 = arith.constant 0 : i32
    %scan3A_30 = arith.constant 20 : i32
    %scan3A_31 = arith.addi %scan3A_29, %scan3A_30 : i32
    %scan3A_32 = arith.constant 1 : i32
    scf.for %scan3A_42 = %scan3A_29 to %scan3A_31 step %scan3A_32  : i32 {
      %mul3A_43 = arith.constant 2 : i32
      %mul3A_44 = arith.muli %mul3A_43, %scan3A_42 : i32
      %dma_wait3A_45 = arith.constant 0 : i32
      %dma_wait3A_46 = tpu.memref_slice %arg8[%mul3A_44, %dma_wait3A_45] : memref<40x128xi32, #tpu.memory_space<vmem>> -> memref<1x128xi32, #tpu.memory_space<vmem>>
      %dma_wait3A_47 = tpu.memref_squeeze %dma_wait3A_46 : memref<1x128xi32, #tpu.memory_space<vmem>> -> memref<128xi32, #tpu.memory_space<vmem>>
      %dma_wait3A_48 = arith.constant 0 : i32
      %dma_wait3A_49 = arith.constant 0 : i32
      %dma_wait3A_50 = tpu.memref_slice %arg2[%dma_wait3A_48, %dma_wait3A_49] : memref<10000x128xf32, #tpu.memory_space<hbm>> -> memref<10000x128xf32, #tpu.memory_space<hbm>>
      tpu.wait_indirect_dma semaphore(%arg12 : memref<!tpu.dma_semaphore, #tpu.memory_space<semaphore_mem>>) src(%dma_wait3A_50 : memref<10000x128xf32, #tpu.memory_space<hbm>>) dst(%arg10 : memref<128x128xf32, #tpu.memory_space<vmem>>)
      %dma_start3A_51 = arith.constant 0 : i32
      %dma_start3A_52 = tpu.memref_slice %arg9[%mul3A_44, %dma_start3A_51] : memref<40x128xi32, #tpu.memory_space<vmem>> -> memref<1x128xi32, #tpu.memory_space<vmem>>
      %dma_start3A_53 = tpu.memref_squeeze %dma_start3A_52 : memref<1x128xi32, #tpu.memory_space<vmem>> -> memref<128xi32, #tpu.memory_space<vmem>>
      %dma_start3A_54 = arith.constant 0 : i32
      %dma_start3A_55 = arith.constant 0 : i32
      %dma_start3A_56 = tpu.memref_slice %arg7[%dma_start3A_54, %dma_start3A_55] : memref<10128x128xf32, #tpu.memory_space<vmem_shared>> -> memref<10128x128xf32, #tpu.memory_space<vmem_shared>>
      tpu.enqueue_indirect_dma source(%arg10 : memref<128x128xf32, #tpu.memory_space<vmem>>) target(%dma_start3A_56 : memref<10128x128xf32, #tpu.memory_space<vmem_shared>>) offsets(%dma_start3A_53 : memref<128xi32, #tpu.memory_space<vmem>>) semaphore(%arg14 : memref<!tpu.dma_semaphore, #tpu.memory_space<semaphore_mem>>) {add = true}
      %gt3A = arith.constant 0 : i32
      %gt3A_57 = arith.cmpi sgt, %scan3A_42, %gt3A : i32
      %convert_element_type3A = arith.extui %gt3A_57 : i1 to i32
      %cond3A = arith.constant 0 : i32
      %cond3A_58 = arith.cmpi ne, %convert_element_type3A, %cond3A : i32
      scf.if %cond3A_58 {
        %dma_wait3A_93 = arith.constant 0 : i32
        %dma_wait3A_94 = tpu.memref_slice %arg9[%mul3A_44, %dma_wait3A_93] : memref<40x128xi32, #tpu.memory_space<vmem>> -> memref<1x128xi32, #tpu.memory_space<vmem>>
        %dma_wait3A_95 = tpu.memref_squeeze %dma_wait3A_94 : memref<1x128xi32, #tpu.memory_space<vmem>> -> memref<128xi32, #tpu.memory_space<vmem>>
        %dma_wait3A_96 = arith.constant 0 : i32
        %dma_wait3A_97 = arith.constant 0 : i32
        %dma_wait3A_98 = tpu.memref_slice %arg7[%dma_wait3A_96, %dma_wait3A_97] : memref<10128x128xf32, #tpu.memory_space<vmem_shared>> -> memref<10128x128xf32, #tpu.memory_space<vmem_shared>>
        tpu.wait_indirect_dma semaphore(%arg15 : memref<!tpu.dma_semaphore, #tpu.memory_space<semaphore_mem>>) src(%arg11 : memref<128x128xf32, #tpu.memory_space<vmem>>) dst(%dma_wait3A_98 : memref<10128x128xf32, #tpu.memory_space<vmem_shared>>)
      } else {
      }
      %add3A_59 = arith.constant 1 : i32
      %add3A_60 = arith.addi %mul3A_44, %add3A_59 : i32
      %dma_start3A_61 = arith.constant 0 : i32
      %dma_start3A_62 = tpu.memref_slice %arg8[%add3A_60, %dma_start3A_61] : memref<40x128xi32, #tpu.memory_space<vmem>> -> memref<1x128xi32, #tpu.memory_space<vmem>>
      %dma_start3A_63 = tpu.memref_squeeze %dma_start3A_62 : memref<1x128xi32, #tpu.memory_space<vmem>> -> memref<128xi32, #tpu.memory_space<vmem>>
      %dma_start3A_64 = arith.constant 0 : i32
      %dma_start3A_65 = arith.constant 0 : i32
      %dma_start3A_66 = tpu.memref_slice %arg2[%dma_start3A_64, %dma_start3A_65] : memref<10000x128xf32, #tpu.memory_space<hbm>> -> memref<10000x128xf32, #tpu.memory_space<hbm>>
      tpu.enqueue_indirect_dma source(%dma_start3A_66 : memref<10000x128xf32, #tpu.memory_space<hbm>>) target(%arg11 : memref<128x128xf32, #tpu.memory_space<vmem>>) offsets(%dma_start3A_63 : memref<128xi32, #tpu.memory_space<vmem>>) semaphore(%arg13 : memref<!tpu.dma_semaphore, #tpu.memory_space<semaphore_mem>>)
      %add3A_67 = arith.constant 1 : i32
      %add3A_68 = arith.addi %mul3A_44, %add3A_67 : i32
      %dma_wait3A_69 = arith.constant 0 : i32
      %dma_wait3A_70 = tpu.memref_slice %arg8[%add3A_68, %dma_wait3A_69] : memref<40x128xi32, #tpu.memory_space<vmem>> -> memref<1x128xi32, #tpu.memory_space<vmem>>
      %dma_wait3A_71 = tpu.memref_squeeze %dma_wait3A_70 : memref<1x128xi32, #tpu.memory_space<vmem>> -> memref<128xi32, #tpu.memory_space<vmem>>
      %dma_wait3A_72 = arith.constant 0 : i32
      %dma_wait3A_73 = arith.constant 0 : i32
      %dma_wait3A_74 = tpu.memref_slice %arg2[%dma_wait3A_72, %dma_wait3A_73] : memref<10000x128xf32, #tpu.memory_space<hbm>> -> memref<10000x128xf32, #tpu.memory_space<hbm>>
      tpu.wait_indirect_dma semaphore(%arg13 : memref<!tpu.dma_semaphore, #tpu.memory_space<semaphore_mem>>) src(%dma_wait3A_74 : memref<10000x128xf32, #tpu.memory_space<hbm>>) dst(%arg11 : memref<128x128xf32, #tpu.memory_space<vmem>>)
      %add3A_75 = arith.constant 1 : i32
      %add3A_76 = arith.addi %mul3A_44, %add3A_75 : i32
      %dma_start3A_77 = arith.constant 0 : i32
      %dma_start3A_78 = tpu.memref_slice %arg9[%add3A_76, %dma_start3A_77] : memref<40x128xi32, #tpu.memory_space<vmem>> -> memref<1x128xi32, #tpu.memory_space<vmem>>
      %dma_start3A_79 = tpu.memref_squeeze %dma_start3A_78 : memref<1x128xi32, #tpu.memory_space<vmem>> -> memref<128xi32, #tpu.memory_space<vmem>>
      %dma_start3A_80 = arith.constant 0 : i32
      %dma_start3A_81 = arith.constant 0 : i32
      %dma_start3A_82 = tpu.memref_slice %arg7[%dma_start3A_80, %dma_start3A_81] : memref<10128x128xf32, #tpu.memory_space<vmem_shared>> -> memref<10128x128xf32, #tpu.memory_space<vmem_shared>>
      tpu.enqueue_indirect_dma source(%arg11 : memref<128x128xf32, #tpu.memory_space<vmem>>) target(%dma_start3A_82 : memref<10128x128xf32, #tpu.memory_space<vmem_shared>>) offsets(%dma_start3A_79 : memref<128xi32, #tpu.memory_space<vmem>>) semaphore(%arg15 : memref<!tpu.dma_semaphore, #tpu.memory_space<semaphore_mem>>) {add = true}
      %dma_wait3A_83 = arith.constant 0 : i32
      %dma_wait3A_84 = tpu.memref_slice %arg9[%mul3A_44, %dma_wait3A_83] : memref<40x128xi32, #tpu.memory_space<vmem>> -> memref<1x128xi32, #tpu.memory_space<vmem>>
      %dma_wait3A_85 = tpu.memref_squeeze %dma_wait3A_84 : memref<1x128xi32, #tpu.memory_space<vmem>> -> memref<128xi32, #tpu.memory_space<vmem>>
      %dma_wait3A_86 = arith.constant 0 : i32
      %dma_wait3A_87 = arith.constant 0 : i32
      %dma_wait3A_88 = tpu.memref_slice %arg7[%dma_wait3A_86, %dma_wait3A_87] : memref<10128x128xf32, #tpu.memory_space<vmem_shared>> -> memref<10128x128xf32, #tpu.memory_space<vmem_shared>>
      tpu.wait_indirect_dma semaphore(%arg14 : memref<!tpu.dma_semaphore, #tpu.memory_space<semaphore_mem>>) src(%arg10 : memref<128x128xf32, #tpu.memory_space<vmem>>) dst(%dma_wait3A_88 : memref<10128x128xf32, #tpu.memory_space<vmem_shared>>)
      %lt3A = arith.constant 19 : i32
      %lt3A_89 = arith.cmpi slt, %scan3A_42, %lt3A : i32
      %convert_element_type3A_90 = arith.extui %lt3A_89 : i1 to i32
      %cond3A_91 = arith.constant 0 : i32
      %cond3A_92 = arith.cmpi ne, %convert_element_type3A_90, %cond3A_91 : i32
      scf.if %cond3A_92 {
        %add3A_93 = arith.constant 2 : i32
        %add3A_94 = arith.addi %mul3A_44, %add3A_93 : i32
        %dma_start3A_95 = arith.constant 0 : i32
        %dma_start3A_96 = tpu.memref_slice %arg8[%add3A_94, %dma_start3A_95] : memref<40x128xi32, #tpu.memory_space<vmem>> -> memref<1x128xi32, #tpu.memory_space<vmem>>
        %dma_start3A_97 = tpu.memref_squeeze %dma_start3A_96 : memref<1x128xi32, #tpu.memory_space<vmem>> -> memref<128xi32, #tpu.memory_space<vmem>>
        %dma_start3A_98 = arith.constant 0 : i32
        %dma_start3A_99 = arith.constant 0 : i32
        %dma_start3A_100 = tpu.memref_slice %arg2[%dma_start3A_98, %dma_start3A_99] : memref<10000x128xf32, #tpu.memory_space<hbm>> -> memref<10000x128xf32, #tpu.memory_space<hbm>>
        tpu.enqueue_indirect_dma source(%dma_start3A_100 : memref<10000x128xf32, #tpu.memory_space<hbm>>) target(%arg10 : memref<128x128xf32, #tpu.memory_space<vmem>>) offsets(%dma_start3A_97 : memref<128xi32, #tpu.memory_space<vmem>>) semaphore(%arg12 : memref<!tpu.dma_semaphore, #tpu.memory_space<semaphore_mem>>)
      } else {
      }
    }
    %scan3A_33 = arith.constant 20 : i32
    %dma_wait3A_34 = arith.constant 0 : i32
    %dma_wait3A_35 = arith.constant 0 : i32
    %dma_wait3A_36 = tpu.memref_slice %arg9[%dma_wait3A_34, %dma_wait3A_35] : memref<40x128xi32, #tpu.memory_space<vmem>> -> memref<1x128xi32, #tpu.memory_space<vmem>>
    %dma_wait3A_37 = tpu.memref_squeeze %dma_wait3A_36 : memref<1x128xi32, #tpu.memory_space<vmem>> -> memref<128xi32, #tpu.memory_space<vmem>>
    %dma_wait3A_38 = arith.constant 0 : i32
    %dma_wait3A_39 = arith.constant 0 : i32
    %dma_wait3A_40 = tpu.memref_slice %arg7[%dma_wait3A_38, %dma_wait3A_39] : memref<10128x128xf32, #tpu.memory_space<vmem_shared>> -> memref<10128x128xf32, #tpu.memory_space<vmem_shared>>
    tpu.wait_indirect_dma semaphore(%arg15 : memref<!tpu.dma_semaphore, #tpu.memory_space<semaphore_mem>>) src(%arg11 : memref<128x128xf32, #tpu.memory_space<vmem>>) dst(%dma_wait3A_40 : memref<10128x128xf32, #tpu.memory_space<vmem_shared>>)
    %barrier3A_41 = arith.constant 0 : index
    tpu.barrier barrier_id(%barrier3A_41)
    "tpu.region"() ({
      %run_scoped3A = tpu.sem_alloc : memref<!tpu.dma_semaphore, #tpu.memory_space<semaphore_mem>>
      %dma_start3A_42 = arith.constant 0 : i32
      %dma_start3A_43 = tpu.memref_slice %arg6[%arg0, %multiple_of3A, %dma_start3A_42] : memref<2x10000x128xf32, #tpu.memory_space<hbm>> -> memref<1x632x128xf32, #tpu.memory_space<hbm>>
      %dma_start3A_44 = tpu.memref_squeeze %dma_start3A_43 : memref<1x632x128xf32, #tpu.memory_space<hbm>> -> memref<632x128xf32, #tpu.memory_space<hbm>>
      %dma_start3A_45 = arith.constant 0 : i32
      %dma_start3A_46 = tpu.memref_slice %arg7[%multiple_of3A, %dma_start3A_45] : memref<10128x128xf32, #tpu.memory_space<vmem_shared>> -> memref<632x128xf32, #tpu.memory_space<vmem_shared>>
      tpu.enqueue_dma source(%dma_start3A_46 : memref<632x128xf32, #tpu.memory_space<vmem_shared>>) target(%dma_start3A_44 : memref<632x128xf32, #tpu.memory_space<hbm>>) target_semaphore(%run_scoped3A : memref<!tpu.dma_semaphore, #tpu.memory_space<semaphore_mem>>)
      %dma_wait3A_47 = arith.constant 0 : i32
      %dma_wait3A_48 = tpu.memref_slice %arg6[%arg0, %multiple_of3A, %dma_wait3A_47] : memref<2x10000x128xf32, #tpu.memory_space<hbm>> -> memref<1x632x128xf32, #tpu.memory_space<hbm>>
      %dma_wait3A_49 = tpu.memref_squeeze %dma_wait3A_48 : memref<1x632x128xf32, #tpu.memory_space<hbm>> -> memref<632x128xf32, #tpu.memory_space<hbm>>
      %dma_wait3A_50 = arith.constant 0 : i32
      %dma_wait3A_51 = tpu.memref_slice %arg7[%multiple_of3A, %dma_wait3A_50] : memref<10128x128xf32, #tpu.memory_space<vmem_shared>> -> memref<632x128xf32, #tpu.memory_space<vmem_shared>>
      tpu.wait_dma2 semaphore(%run_scoped3A : memref<!tpu.dma_semaphore, #tpu.memory_space<semaphore_mem>>) src(%dma_wait3A_51 : memref<632x128xf32, #tpu.memory_space<vmem_shared>>) dst(%dma_wait3A_49 : memref<632x128xf32, #tpu.memory_space<hbm>>)
      tpu.yield
    }) : () -> ()
    return
  }
}

module attributes {stable_mosaic.version = 14 : i64} {
  func.func @_tc_body(%arg0: i32, %arg1: memref<1000x128xf32, #tpu.memory_space<vmem>>, %arg2: memref<1000x128xf32, #tpu.memory_space<vmem>>, %arg3: memref<1000x128xf32, #tpu.memory_space<vmem>>, %arg4: memref<128x128xf32, #tpu.memory_space<vmem>>, %arg5: memref<1x128xf32, #tpu.memory_space<vmem>>, %arg6: memref<128x128xf32, #tpu.memory_space<vmem>>, %arg7: memref<1x128xf32, #tpu.memory_space<vmem>>, %arg8: memref<1x128xf32, #tpu.memory_space<vmem>>, %arg9: memref<128x128xf32, #tpu.memory_space<vmem>>, %arg10: memref<1x128xf32, #tpu.memory_space<vmem>>, %arg11: memref<128x128xf32, #tpu.memory_space<vmem>>, %arg12: memref<1x128xf32, #tpu.memory_space<vmem>>, %arg13: memref<128x256xf32, #tpu.memory_space<vmem>>, %arg14: memref<1x128xf32, #tpu.memory_space<vmem>>, %arg15: memref<1x128xf32, #tpu.memory_space<vmem>>, %arg16: memref<1x1xf32, #tpu.memory_space<smem>>, %arg17: memref<1x1xf32, #tpu.memory_space<vmem>>, %arg18: memref<1x128xf32, #tpu.memory_space<vmem>>) attributes {dimension_semantics = [#tpu.dimension_semantics<arbitrary>], iteration_bounds = array<i64: 10>, scalar_prefetch = 0 : i64, scratch_operands = 1 : i64, tpu.core_type = #tpu.core_type<tc>, window_params = [{transform_indices = @transform_0, window_bounds = array<i64: 1000, 128>}, {transform_indices = @transform_1, window_bounds = array<i64: 1000, 128>}, {transform_indices = @transform_2, window_bounds = array<i64: 1000, 128>}, {pipeline_mode = #tpu.pipeline_mode<synchronous>, transform_indices = @transform_3, window_bounds = array<i64: 128, 128>}, {pipeline_mode = #tpu.pipeline_mode<synchronous>, transform_indices = @transform_4, window_bounds = array<i64: 1, 128>}, {pipeline_mode = #tpu.pipeline_mode<synchronous>, transform_indices = @transform_5, window_bounds = array<i64: 128, 128>}, {pipeline_mode = #tpu.pipeline_mode<synchronous>, transform_indices = @transform_6, window_bounds = array<i64: 1, 128>}, {pipeline_mode = #tpu.pipeline_mode<synchronous>, transform_indices = @transform_7, window_bounds = array<i64: 1, 128>}, {pipeline_mode = #tpu.pipeline_mode<synchronous>, transform_indices = @transform_8, window_bounds = array<i64: 128, 128>}, {pipeline_mode = #tpu.pipeline_mode<synchronous>, transform_indices = @transform_9, window_bounds = array<i64: 1, 128>}, {pipeline_mode = #tpu.pipeline_mode<synchronous>, transform_indices = @transform_10, window_bounds = array<i64: 128, 128>}, {pipeline_mode = #tpu.pipeline_mode<synchronous>, transform_indices = @transform_11, window_bounds = array<i64: 1, 128>}, {pipeline_mode = #tpu.pipeline_mode<synchronous>, transform_indices = @transform_12, window_bounds = array<i64: 128, 256>}, {pipeline_mode = #tpu.pipeline_mode<synchronous>, transform_indices = @transform_13, window_bounds = array<i64: 1, 128>}, {pipeline_mode = #tpu.pipeline_mode<synchronous>, transform_indices = @transform_14, window_bounds = array<i64: 1, 128>}, {transform_indices = @transform_15, window_bounds = array<i64: 1, 1>}, {pipeline_mode = #tpu.pipeline_mode<synchronous>, transform_indices = @transform_16, window_bounds = array<i64: 1, 1>}]} {
    %get3A = arith.constant 0 : index
    %get3A_0 = arith.constant 0 : index
    %get3A_1 = vector.load %arg1[%get3A, %get3A_0] : memref<1000x128xf32, #tpu.memory_space<vmem>>, vector<1000x128xf32>
    %get3A_2 = arith.constant 0 : index
    %get3A_3 = arith.constant 0 : index
    %get3A_4 = vector.load %arg2[%get3A_2, %get3A_3] : memref<1000x128xf32, #tpu.memory_space<vmem>>, vector<1000x128xf32>
    %add3A = arith.addf %get3A_1, %get3A_4 : vector<1000x128xf32>
    %get3A_5 = arith.constant 0 : index
    %get3A_6 = arith.constant 0 : index
    %get3A_7 = vector.load %arg3[%get3A_5, %get3A_6] : memref<1000x128xf32, #tpu.memory_space<vmem>>, vector<1000x128xf32>
    %add3A_8 = arith.addf %add3A, %get3A_7 : vector<1000x128xf32>
    %get3A_9 = arith.constant 0 : index
    %get3A_10 = arith.constant 0 : index
    %get3A_11 = vector.load %arg4[%get3A_9, %get3A_10] : memref<128x128xf32, #tpu.memory_space<vmem>>, vector<128x128xf32>
    %dot_general3A = arith.constant dense<0.000000e+00> : vector<1000x128xf32>
    %dot_general3A_12 = tpu.matmul %add3A_8, %get3A_11, %dot_general3A {dimension_numbers = #tpu.dot_dimension_numbers<[1], [1], [0], [0], [0, 0, 1, 0], [], []>, transpose_lhs_hint = false} : vector<1000x128xf32>, vector<128x128xf32>, vector<1000x128xf32> -> vector<1000x128xf32>
    %get3A_13 = arith.constant 0 : index
    %get3A_14 = arith.constant 0 : index
    %get3A_15 = vector.load %arg5[%get3A_13, %get3A_14] : memref<1x128xf32, #tpu.memory_space<vmem>>, vector<1x128xf32>
    %add3A_16 = vector.broadcast %get3A_15 : vector<1x128xf32> to vector<1000x128xf32>
    %add3A_17 = arith.addf %dot_general3A_12, %add3A_16 : vector<1000x128xf32>
    %max3A = arith.constant 0.000000e+00 : f32
    %max3A_18 = vector.broadcast %max3A : f32 to vector<1000x128xf32>
    %max3A_19 = arith.maximumf %add3A_17, %max3A_18 : vector<1000x128xf32>
    %get3A_20 = arith.constant 0 : index
    %get3A_21 = arith.constant 0 : index
    %get3A_22 = vector.load %arg6[%get3A_20, %get3A_21] : memref<128x128xf32, #tpu.memory_space<vmem>>, vector<128x128xf32>
    %dot_general3A_23 = arith.constant dense<0.000000e+00> : vector<1000x128xf32>
    %dot_general3A_24 = tpu.matmul %max3A_19, %get3A_22, %dot_general3A_23 {dimension_numbers = #tpu.dot_dimension_numbers<[1], [1], [0], [0], [0, 0, 1, 0], [], []>, transpose_lhs_hint = false} : vector<1000x128xf32>, vector<128x128xf32>, vector<1000x128xf32> -> vector<1000x128xf32>
    %get3A_25 = arith.constant 0 : index
    %get3A_26 = arith.constant 0 : index
    %get3A_27 = vector.load %arg7[%get3A_25, %get3A_26] : memref<1x128xf32, #tpu.memory_space<vmem>>, vector<1x128xf32>
    %add3A_28 = vector.broadcast %get3A_27 : vector<1x128xf32> to vector<1000x128xf32>
    %add3A_29 = arith.addf %dot_general3A_24, %add3A_28 : vector<1000x128xf32>
    %max3A_30 = arith.constant 0.000000e+00 : f32
    %max3A_31 = vector.broadcast %max3A_30 : f32 to vector<1000x128xf32>
    %max3A_32 = arith.maximumf %add3A_29, %max3A_31 : vector<1000x128xf32>
    %reduce_sum3A = arith.constant dense<0.000000e+00> : vector<128xf32>
    %reduce_sum3A_33 = vector.multi_reduction <add>, %max3A_32, %reduce_sum3A [0] : vector<1000x128xf32> to vector<128xf32>
    %broadcast_in_dim3A = vector.shape_cast %reduce_sum3A_33 : vector<128xf32> to vector<1x128xf32>
    %eq3A = arith.constant 0 : i32
    %eq3A_34 = arith.cmpi eq, %arg0, %eq3A : i32
    %convert_element_type3A = arith.extui %eq3A_34 : i1 to i32
    %cond3A = arith.constant 0 : i32
    %cond3A_35 = arith.cmpi ne, %convert_element_type3A, %cond3A : i32
    scf.if %cond3A_35 {
      %swap3A = arith.constant 0 : index
      %swap3A_45 = arith.constant 0 : index
      %swap3A_46 = vector.load %arg18[%swap3A, %swap3A_45] : memref<1x128xf32, #tpu.memory_space<vmem>>, vector<1x128xf32>
      tpu.vector_store %arg18[%swap3A, %swap3A_45], %broadcast_in_dim3A {strides = array<i32>} : memref<1x128xf32, #tpu.memory_space<vmem>>, vector<1x128xf32>,
    } else {
    }
    %gt3A = arith.constant 0 : i32
    %gt3A_36 = arith.cmpi sgt, %arg0, %gt3A : i32
    %convert_element_type3A_37 = arith.extui %gt3A_36 : i1 to i32
    %cond3A_38 = arith.constant 0 : i32
    %cond3A_39 = arith.cmpi ne, %convert_element_type3A_37, %cond3A_38 : i32
    scf.if %cond3A_39 {
      %get3A_45 = arith.constant 0 : index
      %get3A_46 = arith.constant 0 : index
      %get3A_47 = vector.load %arg18[%get3A_45, %get3A_46] : memref<1x128xf32, #tpu.memory_space<vmem>>, vector<1x128xf32>
      %add3A_48 = arith.addf %get3A_47, %broadcast_in_dim3A : vector<1x128xf32>
      %swap3A = arith.constant 0 : index
      %swap3A_49 = arith.constant 0 : index
      %swap3A_50 = vector.load %arg18[%swap3A, %swap3A_49] : memref<1x128xf32, #tpu.memory_space<vmem>>, vector<1x128xf32>
      tpu.vector_store %arg18[%swap3A, %swap3A_49], %add3A_48 {strides = array<i32>} : memref<1x128xf32, #tpu.memory_space<vmem>>, vector<1x128xf32>,
    } else {
    }
    %eq3A_40 = arith.constant 9 : i32
    %eq3A_41 = arith.cmpi eq, %arg0, %eq3A_40 : i32
    %convert_element_type3A_42 = arith.extui %eq3A_41 : i1 to i32
    %cond3A_43 = arith.constant 0 : i32
    %cond3A_44 = arith.cmpi ne, %convert_element_type3A_42, %cond3A_43 : i32
    scf.if %cond3A_44 {
      %get3A_45 = arith.constant 0 : index
      %get3A_46 = arith.constant 0 : index
      %get3A_47 = vector.load %arg18[%get3A_45, %get3A_46] : memref<1x128xf32, #tpu.memory_space<vmem>>, vector<1x128xf32>
      %mul3A = arith.constant 9.99999974E-5 : f32
      %mul3A_48 = vector.broadcast %mul3A : f32 to vector<1x128xf32>
      %mul3A_49 = arith.mulf %get3A_47, %mul3A_48 : vector<1x128xf32>
      %get3A_50 = arith.constant 0 : index
      %get3A_51 = arith.constant 0 : index
      %get3A_52 = vector.load %arg8[%get3A_50, %get3A_51] : memref<1x128xf32, #tpu.memory_space<vmem>>, vector<1x128xf32>
      %get3A_53 = arith.constant 0 : index
      %get3A_54 = arith.constant 0 : index
      %get3A_55 = vector.load %arg9[%get3A_53, %get3A_54] : memref<128x128xf32, #tpu.memory_space<vmem>>, vector<128x128xf32>
      %dot_general3A_56 = arith.constant dense<0.000000e+00> : vector<1x128xf32>
      %dot_general3A_57 = tpu.matmul %get3A_52, %get3A_55, %dot_general3A_56 {dimension_numbers = #tpu.dot_dimension_numbers<[1], [1], [0], [0], [0, 0, 1, 0], [], []>, transpose_lhs_hint = false} : vector<1x128xf32>, vector<128x128xf32>, vector<1x128xf32> -> vector<1x128xf32>
      %get3A_58 = arith.constant 0 : index
      %get3A_59 = arith.constant 0 : index
      %get3A_60 = vector.load %arg10[%get3A_58, %get3A_59] : memref<1x128xf32, #tpu.memory_space<vmem>>, vector<1x128xf32>
      %add3A_61 = arith.addf %dot_general3A_57, %get3A_60 : vector<1x128xf32>
      %max3A_62 = arith.constant 0.000000e+00 : f32
      %max3A_63 = vector.broadcast %max3A_62 : f32 to vector<1x128xf32>
      %max3A_64 = arith.maximumf %add3A_61, %max3A_63 : vector<1x128xf32>
      %get3A_65 = arith.constant 0 : index
      %get3A_66 = arith.constant 0 : index
      %get3A_67 = vector.load %arg11[%get3A_65, %get3A_66] : memref<128x128xf32, #tpu.memory_space<vmem>>, vector<128x128xf32>
      %dot_general3A_68 = arith.constant dense<0.000000e+00> : vector<1x128xf32>
      %dot_general3A_69 = tpu.matmul %max3A_64, %get3A_67, %dot_general3A_68 {dimension_numbers = #tpu.dot_dimension_numbers<[1], [1], [0], [0], [0, 0, 1, 0], [], []>, transpose_lhs_hint = false} : vector<1x128xf32>, vector<128x128xf32>, vector<1x128xf32> -> vector<1x128xf32>
      %get3A_70 = arith.constant 0 : index
      %get3A_71 = arith.constant 0 : index
      %get3A_72 = vector.load %arg12[%get3A_70, %get3A_71] : memref<1x128xf32, #tpu.memory_space<vmem>>, vector<1x128xf32>
      %add3A_73 = arith.addf %dot_general3A_69, %get3A_72 : vector<1x128xf32>
      %concatenate3A = tpu.concatenate %mul3A_49, %add3A_73 in 1 : vector<1x128xf32>, vector<1x128xf32> -> vector<1x256xf32>
      %get3A_74 = arith.constant 0 : index
      %get3A_75 = arith.constant 0 : index
      %get3A_76 = vector.load %arg13[%get3A_74, %get3A_75] : memref<128x256xf32, #tpu.memory_space<vmem>>, vector<128x256xf32>
      %dot_general3A_77 = arith.constant dense<0.000000e+00> : vector<1x128xf32>
      %dot_general3A_78 = tpu.matmul %concatenate3A, %get3A_76, %dot_general3A_77 {dimension_numbers = #tpu.dot_dimension_numbers<[1], [1], [0], [0], [0, 0, 1, 0], [], []>, transpose_lhs_hint = false} : vector<1x256xf32>, vector<128x256xf32>, vector<1x128xf32> -> vector<1x128xf32>
      %get3A_79 = arith.constant 0 : index
      %get3A_80 = arith.constant 0 : index
      %get3A_81 = vector.load %arg14[%get3A_79, %get3A_80] : memref<1x128xf32, #tpu.memory_space<vmem>>, vector<1x128xf32>
      %add3A_82 = arith.addf %dot_general3A_78, %get3A_81 : vector<1x128xf32>
      %max3A_83 = arith.constant 0.000000e+00 : f32
      %max3A_84 = vector.broadcast %max3A_83 : f32 to vector<1x128xf32>
      %max3A_85 = arith.maximumf %add3A_82, %max3A_84 : vector<1x128xf32>
      %get3A_86 = arith.constant 0 : index
      %get3A_87 = arith.constant 0 : index
      %get3A_88 = vector.load %arg15[%get3A_86, %get3A_87] : memref<1x128xf32, #tpu.memory_space<vmem>>, vector<1x128xf32>
      %mul3A_89 = arith.mulf %max3A_85, %get3A_88 : vector<1x128xf32>
      %reduce_sum3A_90 = arith.constant dense<0.000000e+00> : vector<1xf32>
      %reduce_sum3A_91 = vector.multi_reduction <add>, %mul3A_89, %reduce_sum3A_90 [1] : vector<1x128xf32> to vector<1xf32>
      %broadcast_in_dim3A_92 = vector.shape_cast %reduce_sum3A_91 : vector<1xf32> to vector<1x1xf32>
      %get3A_93 = arith.constant 0 : index
      %get3A_94 = arith.constant 0 : index
      %get3A_95 = memref.load %arg16[%get3A_93, %get3A_94] : memref<1x1xf32, #tpu.memory_space<smem>>
      %add3A_96 = vector.broadcast %get3A_95 : f32 to vector<1x1xf32>
      %add3A_97 = arith.addf %broadcast_in_dim3A_92, %add3A_96 : vector<1x1xf32>
      %neg3A = arith.constant 0.000000e+00 : f32
      %neg3A_98 = vector.broadcast %neg3A : f32 to vector<1x1xf32>
      %neg3A_99 = arith.subf %neg3A_98, %add3A_97 : vector<1x1xf32>
      %exp3A = math.exp %neg3A_99 : vector<1x1xf32>
      %add3A_100 = arith.constant 1.000000e+00 : f32
      %add3A_101 = vector.broadcast %add3A_100 : f32 to vector<1x1xf32>
      %add3A_102 = arith.addf %add3A_101, %exp3A : vector<1x1xf32>
      %div3A = arith.constant 1.000000e+00 : f32
      %div3A_103 = vector.broadcast %div3A : f32 to vector<1x1xf32>
      %div3A_104 = arith.divf %div3A_103, %add3A_102 : vector<1x1xf32>
      %swap3A = arith.constant 0 : index
      %swap3A_105 = arith.constant 0 : index
      %swap3A_106 = vector.load %arg17[%swap3A, %swap3A_105] : memref<1x1xf32, #tpu.memory_space<vmem>>, vector<1x1xf32>
      tpu.vector_store %arg17[%swap3A, %swap3A_105], %div3A_104 {strides = array<i32>} : memref<1x1xf32, #tpu.memory_space<vmem>>, vector<1x1xf32>,
    } else {
    }
    return
  }
  func.func @transform_0(%arg0: i32) -> (i32, i32) {
    %c0_i32 = arith.constant 0 : i32
    %c0_i32_0 = arith.constant 0 : i32
    return %arg0, %c0_i32 : i32, i32
  }
  func.func @transform_1(%arg0: i32) -> (i32, i32) {
    %c0_i32 = arith.constant 0 : i32
    %c0_i32_0 = arith.constant 0 : i32
    return %arg0, %c0_i32 : i32, i32
  }
  func.func @transform_2(%arg0: i32) -> (i32, i32) {
    %c0_i32 = arith.constant 0 : i32
    %c0_i32_0 = arith.constant 0 : i32
    return %arg0, %c0_i32 : i32, i32
  }
  func.func @transform_3(%arg0: i32) -> (i32, i32) {
    %c0_i32 = arith.constant 0 : i32
    %c0_i32_0 = arith.constant 0 : i32
    %c0_i32_1 = arith.constant 0 : i32
    return %c0_i32, %c0_i32_0 : i32, i32
  }
  func.func @transform_4(%arg0: i32) -> (i32, i32) {
    %c0_i32 = arith.constant 0 : i32
    %c0_i32_0 = arith.constant 0 : i32
    %c0_i32_1 = arith.constant 0 : i32
    return %c0_i32, %c0_i32_0 : i32, i32
  }
  func.func @transform_5(%arg0: i32) -> (i32, i32) {
    %c0_i32 = arith.constant 0 : i32
    %c0_i32_0 = arith.constant 0 : i32
    %c0_i32_1 = arith.constant 0 : i32
    return %c0_i32, %c0_i32_0 : i32, i32
  }
  func.func @transform_6(%arg0: i32) -> (i32, i32) {
    %c0_i32 = arith.constant 0 : i32
    %c0_i32_0 = arith.constant 0 : i32
    %c0_i32_1 = arith.constant 0 : i32
    return %c0_i32, %c0_i32_0 : i32, i32
  }
  func.func @transform_7(%arg0: i32) -> (i32, i32) {
    %c0_i32 = arith.constant 0 : i32
    %c0_i32_0 = arith.constant 0 : i32
    %c0_i32_1 = arith.constant 0 : i32
    return %c0_i32, %c0_i32_0 : i32, i32
  }
  func.func @transform_8(%arg0: i32) -> (i32, i32) {
    %c0_i32 = arith.constant 0 : i32
    %c0_i32_0 = arith.constant 0 : i32
    %c0_i32_1 = arith.constant 0 : i32
    return %c0_i32, %c0_i32_0 : i32, i32
  }
  func.func @transform_9(%arg0: i32) -> (i32, i32) {
    %c0_i32 = arith.constant 0 : i32
    %c0_i32_0 = arith.constant 0 : i32
    %c0_i32_1 = arith.constant 0 : i32
    return %c0_i32, %c0_i32_0 : i32, i32
  }
  func.func @transform_10(%arg0: i32) -> (i32, i32) {
    %c0_i32 = arith.constant 0 : i32
    %c0_i32_0 = arith.constant 0 : i32
    %c0_i32_1 = arith.constant 0 : i32
    return %c0_i32, %c0_i32_0 : i32, i32
  }
  func.func @transform_11(%arg0: i32) -> (i32, i32) {
    %c0_i32 = arith.constant 0 : i32
    %c0_i32_0 = arith.constant 0 : i32
    %c0_i32_1 = arith.constant 0 : i32
    return %c0_i32, %c0_i32_0 : i32, i32
  }
  func.func @transform_12(%arg0: i32) -> (i32, i32) {
    %c0_i32 = arith.constant 0 : i32
    %c0_i32_0 = arith.constant 0 : i32
    %c0_i32_1 = arith.constant 0 : i32
    return %c0_i32, %c0_i32_0 : i32, i32
  }
  func.func @transform_13(%arg0: i32) -> (i32, i32) {
    %c0_i32 = arith.constant 0 : i32
    %c0_i32_0 = arith.constant 0 : i32
    %c0_i32_1 = arith.constant 0 : i32
    return %c0_i32, %c0_i32_0 : i32, i32
  }
  func.func @transform_14(%arg0: i32) -> (i32, i32) {
    %c0_i32 = arith.constant 0 : i32
    %c0_i32_0 = arith.constant 0 : i32
    %c0_i32_1 = arith.constant 0 : i32
    return %c0_i32, %c0_i32_0 : i32, i32
  }
  func.func @transform_15(%arg0: i32) -> (i32, i32) {
    %c0_i32 = arith.constant 0 : i32
    %c0_i32_0 = arith.constant 0 : i32
    %c0_i32_1 = arith.constant 0 : i32
    return %c0_i32, %c0_i32_0 : i32, i32
  }
  func.func @transform_16(%arg0: i32) -> (i32, i32) {
    %c0_i32 = arith.constant 0 : i32
    %c0_i32_0 = arith.constant 0 : i32
    %c0_i32_1 = arith.constant 0 : i32
    return %c0_i32, %c0_i32_0 : i32, i32
  }
}

</mosaic_0001>

<sc_bundles>
// kernel: kernel.4.cloned.1.call-start
scs
__scs_entry_jumppad:
0x0: {  	(pc) =	sbr.rel $0x88, $3  }
0x1: {  	(tag) =	ssettag $0x0;
	lr =	simm.s32 $0x1  }
0x2: {  	[smem:$0x3F92] =	sst lr;
	_ =	strace $0xD0000000  }
0x3: {  	_ = 	snop  }
0x4: {  	_ = 	snop  }
0x5: {  	_ = 	snop  }
0x6: {  	_ = 	snop  }
0x7: {  	_ = 	snop  }
__scs_overlays_trampoline_lowered:
0x8: {  	[smem:$0x3FA1] =	sst s0  }
0x9: {  	[smem:$0x3FA2] =	sst s1  }
0xa: {  	[smem:$0x3FA3] =	sst s2  }
0xb: {  	[smem:$0x3FA4] =	sst s3  }
0xc: {  	[smem:$0x3FA5] =	sst s4  }
0xd: {  	[smem:$0x3FA6] =	sst s5  }
0xe: {  	[smem:$0x3FA7] =	sst s6  }
0xf: {  	[smem:$0x3FA8] =	sst s7  }
0x10: {  	[smem:$0x3FA9] =	sst s8  }
0x11: {  	[smem:$0x3FAA] =	sst s9;
	s0 =	simm.s32 @!p0 $0x0  }
0x12: {  	s1 =	sld [smem:$0x3F90];
	s0 =	simm.s32 @p0 $0x1  }
0x13: {  	[smem:$0x3FAB] =	sst s0;
	s0 =	simm.s32 @!p1 $0x0  }
0x14: {  	s2 =	sld [smem:$0x3F8F];
	s0 =	simm.s32 @p1 $0x1  }
0x15: {  	[smem:$0x3FAC] =	sst s0;
	s0 =	simm.s32 @!p2 $0x0  }
0x16: {  	s3 =	sld [smem:$0x3FDB];
	s0 =	simm.s32 @p2 $0x1  }
0x17: {  	s4 =	simm.s32 $0x1BF5;
	[smem:$0x3FAE] =	sst s0  }
0x18: {  	s0 =	sld [smem:$0x3F91];
	_ =	swait.ge [sflag:s4], $0x0  }
0x19: {  	s7 =	sld [smem:$0x3F92]  }
0x1a: {  	s8 =	sadd.s32 $0xFFFFE003, lr  }
0x1b: {  	s9 =	sadd.s32 $0xFFFFFEF7, lr;
	s5 =	simm.s32 $0xFFFFFFFF;
	p2 =	slt.u32 s8, $0xFFFFF086  }
0x1c: {  	p1 =	slt.u32 s9, $0xF7A;
	s5 =	simm.s32 @!p2 $0x0  }
0x1d: {  	s5 =	simm.s32 @p1 $0x1;
	p0 =	seq.s32 s7, s2  }
0x1e: {  	s7 =	smul.u32 @!p0 $0xF7A, s2;
	p2 =	seq.s32 @!p0 s5, $0x0  }
0x1f: {  	s9 =	smul.u32 $0xF7A, s1;
	s8 =	simm.s32 @!p0 $0x1BF5;
	p2 =	por !p2, p0  }
0x20: {  	[sflag:s8] =	ssyncset.s32 @!p0 $0xFFFFF086;
	s6 =	sadd.s32 @!p0 s3, s7;
	s7 =	simm.s32 @!p0 $0x108  }
0x21: {  	s3 =	sadd.s32 s3, s9;
	s6 =	sadd.s32 @!p0 $0x88, s6;
	s7 =	simm.s32 @p2 $0x1082  }
0x22: {  	[simem:s7], [sflag:s8] =	dma.local @!p0 [hbm:s6], $0xF7A  }
0x23: {  	s9 =	sor.u32 $0xD0000000, s2;
	s6 =	simm.s32 $0x108;
	_ =	swait.ge @!p0 [sflag:s8], $0x0  }
0x24: {  	s3 =	sadd.s32 $0x88, s3;
	s6 =	simm.s32 @!p1 $0x1082;
	[sflag:s4] =	ssyncset.s32 $0xFFFFF086  }
0x25: {  	[simem:s6], [sflag:s4] =	dma.local [hbm:s3], $0xF7A  }
0x26: {  	[smem:$0x3F92] =	sst s1;
	(tag) =	ssettag s2;
	_ =	strace s9  }
0x27: {  	s1 =	sld [smem:$0x3FA2]  }
0x28: {  	s2 =	sld [smem:$0x3FA3]  }
0x29: {  	s4 =	sld [smem:$0x3FA5]  }
0x2a: {  	p0 =	seq.s32 s5, $0x0;
	s5 =	sld [smem:$0x3FA6]  }
0x2b: {  	s6 =	sld [smem:$0x3FA7]  }
0x2c: {  	s7 =	sld [smem:$0x3FA8]  }
0x2d: {  	s3 =	simm.s32 $0x108;
	s8 =	sld [smem:$0x3FA9]  }
0x2e: {  	s3 =	simm.s32 @!p0 $0x1082;
	s9 =	sld [smem:$0x3FAA]  }
0x2f: {  	lr =	sadd.s32 s0, s3;
	s0 =	sld [smem:$0x3FA1]  }
0x30: {  	s3 =	sld [smem:$0x3FA4]  }
0x31: {  	[smem:$0x3FAD] =	sst s10  }
0x32: {  	s10 =	sld [smem:$0x3FAB];
	_ =	sdelay $0x3  }
0x33: {  	p0 =	seq.s32 s10, $0x1;
	s10 =	sld [smem:$0x3FAD];
	_ =	sdelay $0x3  }
0x34: {  	[smem:$0x3FAD] =	sst s10  }
0x35: {  	s10 =	sld [smem:$0x3FAC];
	_ =	sdelay $0x3  }
0x36: {  	p1 =	seq.s32 s10, $0x1;
	s10 =	sld [smem:$0x3FAD];
	_ =	sdelay $0x3  }
0x37: {  	[smem:$0x3FAD] =	sst s10  }
0x38: {  	s10 =	sld [smem:$0x3FAE]  }
0x39: {  	_ = 	snop;
	(pc) =	sbr.ind lr, $3  }
0x3a: {  	_ = 	snop  }
0x3b: {  	_ = 	snop  }
0x3c: {  	p2 =	seq.s32 s10, $0x1;
	s10 =	sld [smem:$0x3FAD]  }
0x3d: {  	_ =	shalt  }
0x3e: {  	_ =	shalt  }
0x3f: {  	_ =	shalt  }
0x40: {  	_ =	shalt  }
0x41: {  	_ =	shalt  }
0x42: {  	_ =	shalt  }
0x43: {  	_ =	shalt  }
0x44: {  	_ =	shalt  }
0x45: {  	_ =	shalt  }
0x46: {  	_ =	shalt  }
0x47: {  	_ =	shalt  }
0x48: {  	_ =	shalt  }
0x49: {  	_ =	shalt  }
0x4a: {  	_ =	shalt  }
0x4b: {  	_ =	shalt  }
0x4c: {  	_ =	shalt  }
0x4d: {  	_ =	shalt  }
0x4e: {  	_ =	shalt  }
0x4f: {  	_ =	shalt  }
0x50: {  	_ =	shalt  }
0x51: {  	_ =	shalt  }
0x52: {  	_ =	shalt  }
0x53: {  	_ =	shalt  }
0x54: {  	_ =	shalt  }
0x55: {  	_ =	shalt  }
0x56: {  	_ =	shalt  }
0x57: {  	_ =	shalt  }
0x58: {  	_ =	shalt  }
0x59: {  	_ =	shalt  }
0x5a: {  	_ =	shalt  }
0x5b: {  	_ =	shalt  }
0x5c: {  	_ =	shalt  }
0x5d: {  	_ =	shalt  }
0x5e: {  	_ =	shalt  }
0x5f: {  	_ =	shalt  }
0x60: {  	_ =	shalt  }
0x61: {  	_ =	shalt  }
0x62: {  	_ =	shalt  }
0x63: {  	_ =	shalt  }
0x64: {  	_ =	shalt  }
0x65: {  	_ =	shalt  }
0x66: {  	_ =	shalt  }
0x67: {  	_ =	shalt  }
0x68: {  	_ =	shalt  }
0x69: {  	_ =	shalt  }
0x6a: {  	_ =	shalt  }
0x6b: {  	_ =	shalt  }
0x6c: {  	_ =	shalt  }
0x6d: {  	_ =	shalt  }
0x6e: {  	_ =	shalt  }
0x6f: {  	_ =	shalt  }
0x70: {  	_ =	shalt  }
0x71: {  	_ =	shalt  }
0x72: {  	_ =	shalt  }
0x73: {  	_ =	shalt  }
0x74: {  	_ =	shalt  }
0x75: {  	_ =	shalt  }
0x76: {  	_ =	shalt  }
0x77: {  	_ =	shalt  }
0x78: {  	_ =	shalt  }
0x79: {  	_ =	shalt  }
0x7a: {  	_ =	shalt  }
0x7b: {  	_ =	shalt  }
0x7c: {  	_ =	shalt  }
0x7d: {  	_ =	shalt  }
0x7e: {  	_ =	shalt  }
0x7f: {  	_ =	shalt  }
0x80: {  	_ =	shalt  }
0x81: {  	_ =	shalt  }
0x82: {  	_ =	shalt  }
0x83: {  	_ =	shalt  }
0x84: {  	_ =	shalt  }
0x85: {  	_ =	shalt  }
0x86: {  	_ =	shalt  }
0x87: {  	_ =	shalt  }
.Lfunc_end0:
.L_simem_size_0:
called_computation_lowered:
.L_overlay_start_0:
0x88: {  	s2 =	sld [smem:$0x3FD9]  }
0x89: {  	s3 =	sld [smem:$0x3FFE];
	_ =	sdelay $0x1  }
0x8a: {  	s1 =	srdreg.scid  }
0x8b: {  	s0 =	sand.u32 $0x1, s1  }
0x8c: {  	s17 =	sshll.u32 s0, $0xA;
	s2 =	sadd.s32 s3, s2  }
0x8d: {  	s2 =	sadd.s32 s2, s17  }
0x8e: {  	[smem:$0x3FB9] =	sst s2  }
0x8f: {  	_ = 	snop  }
0x90: {  	s2 =	sld [smem:$0x3FC9];
	(tm) =	ssettm $0x1  }
0x91: {  	s18 =	sld [smem:$0x3FFB];
	_ =	sdelay $0x3  }
0x92: {  	_ =	strace s18  }
0x93: {  	s3 =	sld [smem:$0x3FFC];
	_ =	sdelay $0x3  }
0x94: {  	_ =	strace s3  }
0x95: {  	s3 =	sld [smem:$0x3FFD];
	_ =	sdelay $0x3  }
0x96: {  	_ =	strace s3  }
0x97: {  	_ =	strace $0x8FFFFFFF  }
0x98: {  	s19 =	sld [smem:$0x3FDB];
	_ =	sdelay $0x1  }
0x99: {  	s4 =	simm.s32 $_scs_section_size  }
0x9a: {  	s5 =	simm.s32 $_size__tile_overlayer_lowered;
	s6 =	simm.s32 $_tile_overlayer_lowered  }
0x9b: {  	s22 =	simm.s32 $0x1BFF;
	s21 =	sshll.u32 s6, $0x1;
	s3 =	sadd.s32 s4, s19  }
0x9c: {  	s7 =	simm.s32 $0x0;
	s20 =	sshll.u32 s5, $0x1;
	s5 =	sadd.s32 s21, s3  }
0x9d: {  	[timem:s7], [sflag:s22] =	dma.local [hbm:s5], s20  }
0x9e: {  	_ =	swait.ge [sflag:s22], s20  }
0x9f: {  	s4 =	ssub.s32 $0x0, s20;
	[sflag:s22] =	ssyncset.done $0x0  }
0xa0: {  	[sflag:s22] =	ssyncadd.s32 s4;
	_ =	sdelay $0x1  }
0xa1: {  	s23 =	simm.s32 $0x1B8B  }
0xa2: {  	_ =	swait.ge [sflag:s23], $0x1  }
0xa3: {  	[sflag:s23] =	ssyncset.done $0x0  }
0xa4: {  	s25 =	simm.s32 $0x1B8E;
	s24 =	sld [smem:$0x3FFE];
	[sflag:s23] =	ssyncadd.s32 $0xFFFFFFFF  }
0xa5: {  	s26 =	simm.s32 $execute0_lowered;
	[smem:$0x3FD2] =	sst s25  }
0xa6: {  	s5 =	sshll.u32 s26, $0x1;
	_ =	strace $0x80000046;
	[dreg:$0x1] =	wrdreg $0xFFFFFFFF  }
0xa7: {  	s28 =	simm.s32 $_size_execute0_lowered;
	s3 =	sadd.s32 s3, s5;
	[dreg:$0x0] =	wrdreg $0x0  }
0xa8: {  	s5 =	sshll.u32 s28, $0x1;
	[dreg:$0x2] =	wrdreg s3  }
0xa9: {  	[dreg:$0x3] =	wrdreg s5  }
0xaa: {  	[dreg:$0x4] =	wrdreg $0xC0  }
0xab: {  	_ =	task [dreg:s7], $0x5FFFF  }
0xac: {  	[dreg:$0x1] =	wrdreg $0xFFFFFFFF  }
0xad: {  	[dreg:$0x0] =	wrdreg $0x60  }
0xae: {  	[dreg:$0x2] =	wrdreg s2  }
0xaf: {  	[dreg:$0x3] =	wrdreg s24  }
0xb0: {  	[dreg:$0x4] =	wrdreg $0x0  }
0xb1: {  	[dreg:$0x5] =	wrdreg $0x9  }
0xb2: {  	_ =	task.clear_ibuf [dreg:s7], $0x6FFFF;
	_ =	strace $0x90000046  }
0xb3: {  	s29 =	simm.s32 $0x9;
	_ =	strace $0x80000048  }
0xb4: {  	_ =	swait.ge [sflag:s29], $0x1  }
0xb5: {  	[sflag:s29] =	ssyncadd.s32 $0xFFFFFFFF  }
0xb6: {  	_ =	strace $0x90000048  }
0xb7: {  	_ =	sfence  }
0xb8: {  	s30 =	sld [smem:$0x0];
	_ =	sdelay $0x2  }
0xb9: {  	s31 =	sshll.u32 s1, $0xD;
	s1 =	sshrl.u32 s1, $0x2  }
0xba: {  	s3 =	sand.u32 $0x4000, s31;
	s1 =	sadd.s32 s1, s30  }
0xbb: {  	s0 =	sor.u32 s3, s0;
	s1 =	sshll.u32 s1, $0x11  }
0xbc: {  	s0 =	sor.u32 s1, s0  }
0xbd: {  	s0 =	sadd.s32 $0x8F2B, s0  }
0xbe: {  	[sflag:s0] =	ssyncadd.remote.s32 $0x1  }
0xbf: {  	_ =	sfence.sel $0xFFFF  }
0xc0: {  	[dreg:$0x0] =	wrdreg $0xFFFFFFFF;
	(pc) =	sbr.abs _section_cstart, $3  }
0xc1: {  	[dreg:$0x1] =	wrdreg $0xFFFFFFFF  }
0xc2: {  	_ =	task.clear_ibuf [dreg:s7], $0x2FFFF;
	_ =	strace $0x9FFFFFFF  }
0xc3: {  	(tm) =	ssettm $0x7FFFFFFF  }
tec
execute0_lowered:
.L_overlay_start_1:
0x0: {  	(tag) =	ssettag $0x1  }
0x1: {  	s1 =	rddreg [dreg:$0x0]  }
0x2: {  	s5 =	rddreg [dreg:$0x1]  }
0x3: {  	s3 =	rddreg [dreg:$0x2]  }
0x4: {  	s0 =	rddreg [dreg:$0x3]  }
0x5: {  	s4 =	simm.s32 $0x0;
	s2 =	stileid.u32;
	s7 =	srdreg.scid  }
0x6: {  	s15 =	simm.s32 $0x13C80;
	s16 =	simm.s32 $0x15080;
	s17 =	simm.s32 $0x80  }
0x7: {  	s18 =	simm.s32 $0x16480;
	s19 =	simm.s32 $0x1;
	s20 =	simm.s32 $0x13D00  }
0x8: {  	s21 =	simm.s32 $0x1A480;
	s22 =	simm.s32 $0x2;
	s23 =	simm.s32 $0x15100  }
0x9: {  	s24 =	simm.s32 $0x3;
	s28 =	simm.s32 $0x0;
	[smem:$0x7FF] =	sst s4  }
0xa: {  	s6 =	smul.u32 $0x278, s2;
	s9 =	sadd.s32 $0x2000, s5;
	s7 =	sand.u32 $0x1, s7  }
0xb: {  	s10 =	sadd.s32 $0xC000, s5;
	s12 =	sshll.u32 s2, $0x1;
	s29 =	sshll.u32 s2, $0x6  }
0xc: {  	_ =	strace $0x80000047;
	s8 =	smul.u32 $0x138800, s7;
	s13 =	ssub.s32 $0x2, s7  }
0xd: {  	s7 =	sor.u32 s7, s12;
	s6 =	smin.u32 s6, $0x2498;
	s25 =	sshrl.u32 s13, $0x1  }
0xe: {  	s7 =	smul.u32 $0x2800, s7;
	s11 =	sshll.u32 s6, $0x4;
	s6 =	sshll.u32 s6, $0x7  }
0xf: {  	s12 =	ssub.s32 s13, s25;
	s25 =	simm.s32 $0x13D80;
	s8 =	sadd.s32 s8, s6  }
0x10: {  	s11 =	sadd.s32 s11, s5;
	s26 =	sadd.s32 s6, s3;
	s30 =	sshrl.u32 s7, $0x3  }
.Ltmp0:
0x11: {  	s6 =	sor.u32 $0x1C05, s29;
	s12 =	smax.u32 s12, $0x1;
	(pc) =	sbr.rel .LBB2_1-.Ltmp0, $4  }
0x12: {  	s8 =	sshrl.u32 s8, $0x3;
	s31 =	sadd.s32 $0x280, s30;
	s7 =	sadd.s32 s9, s30  }
0x13: {  	s13 =	sshrl.u32 s26, $0x3;
	s26 =	simm.s32 $0x4;
	s14 =	sadd.s32 s8, s5  }
0x14: {  	s5 =	sadd.s32 $0x16000, s11;
	s8 =	sadd.s32 s10, s30;
	s9 =	sadd.s32 s9, s31  }
0x15: {  	s10 =	sadd.s32 s10, s31;
	s11 =	sadd.s32 $0x3D200, s14;
	s14 =	simm.s32 $0x5  }
.LBB2_7:
0x16: {  	_ =	swait.ge [sflag:s26], $0x4000  }
0x17: {  	s28 =	sadd.s32 $0x1, s28;
	[sflag:s26] =	ssyncset.done $0x0  }
0x18: {  	p0 =	sne.s32 s28, s12;
	[sflag:s26] =	ssyncadd.s32 $0xFFFFC000  }
.Ltmp1:
0x19: {  	[bflag:$0x0] =	sbarrier.arrive $0xFFFF;
	(pc) =	sbr.rel @!p0 .LBB2_8-.Ltmp1, $4  }
0x1a: {  	[hbm:s11], [sflag:s6] =	dma.local [spmem:s13], $0x2780  }
0x1b: {  	_ =	swait.ge [sflag:s14], $0x2780  }
0x1c: {  	[sflag:s14] =	ssyncset.done $0x0  }
0x1d: {  	[sflag:s14] =	ssyncadd.s32 $0xFFFFD880  }
.LBB2_1:
0x1e: {  	[spmem:s13], [sflag:s6] =	dma.local [hbm:s5], $0x2780  }
0x1f: {  	_ =	swait.ge [sflag:s14], $0x2780  }
0x20: {  	[sflag:s14] =	ssyncset.done $0x0  }
0x21: {  	[sflag:s14] =	ssyncadd.s32 $0xFFFFD880  }
0x22: {  	[bflag:$0x0] =	sbarrier.arrive $0xFFFF  }
0x23: {  	[tilespmem:s15], [sflag:$0x5] =	stream.linear.gather [hbm4b:s7+s4], $0x1400, $0x38;
	[tilespmem:$0x1E480] =	vst v63  }
0x24: {  	_ =	swait.ge [sflag:s14], $0x1400  }
0x25: {  	[sflag:s14] =	ssyncset.done $0x0  }
0x26: {  	[sflag:s14] =	ssyncadd.s32 $0xFFFFEC00  }
0x27: {  	[tilespmem:s16], [sflag:$0x5] =	stream.linear.gather [hbm4b:s8+s4], $0x1400, $0x38;
	[tilespmem:$0x1E480] =	vst v63  }
0x28: {  	_ =	swait.ge [sflag:s14], $0x1400  }
0x29: {  	[sflag:s14] =	ssyncset.done $0x0  }
0x2a: {  	[sflag:s14] =	ssyncadd.s32 $0xFFFFEC00  }
0x2b: {  	[tilespmem:s18], [sflag:$0x1] =	stream.indirect.gather [hbm4b:s1+s17], $0x80, s15, s17, $0xb8;
	[tilespmem:$0x1E480] =	vst v63  }
0x2c: {  	_ =	swait.ge [sflag:s19], $0x4000  }
0x2d: {  	[sflag:s19] =	ssyncset.done $0x0  }
0x2e: {  	[sflag:s19] =	ssyncadd.s32 $0xFFFFC000  }
0x2f: {  	[spmem:s3] =	stream.indirect.scatter.add.f32 [tilespmem:s18], [sflag:$0x3], $0x80, s16, s17, $0xb8;
	[tilespmem:$0x1E480] =	vst v63  }
0x30: {  	_ = 	snop  }
0x31: {  	[tilespmem:s21], [sflag:$0x2] =	stream.indirect.gather [hbm4b:s1+s17], $0x80, s20, s17, $0xb8;
	[tilespmem:$0x1E480] =	vst v63  }
0x32: {  	_ =	swait.ge [sflag:s22], $0x4000  }
0x33: {  	[sflag:s22] =	ssyncset.done $0x0  }
0x34: {  	[sflag:s22] =	ssyncadd.s32 $0xFFFFC000  }
0x35: {  	[spmem:s3] =	stream.indirect.scatter.add.f32 [tilespmem:s21], [sflag:$0x4], $0x80, s23, s17, $0xb8;
	[tilespmem:$0x1E480] =	vst v63  }
0x36: {  	_ =	swait.ge [sflag:s24], $0x4000  }
0x37: {  	[sflag:s24] =	ssyncset.done $0x0  }
0x38: {  	s29 =	simm.s32 $0xFFFFB800;
	[sflag:s24] =	ssyncadd.s32 $0xFFFFC000  }
0x39: {  	[tilespmem:s18], [sflag:$0x1] =	stream.indirect.gather [hbm4b:s1+s17], $0x80, s25, s17, $0xb8;
	[tilespmem:$0x1E480] =	vst v63  }
.LBB2_2:
0x3a: {  	_ =	swait.ge [sflag:s19], $0x4000  }
0x3b: {  	s30 =	sshra.s32 s29, $0x2;
	[sflag:s19] =	ssyncset.done $0x0  }
0x3c: {  	s31 =	sadd.s32 $0x16380, s30;
	[sflag:s19] =	ssyncadd.s32 $0xFFFFC000  }
0x3d: {  	[spmem:s3] =	stream.indirect.scatter.add.f32 [tilespmem:s18], [sflag:$0x3], $0x80, s31, s17, $0xb8;
	[tilespmem:$0x1E480] =	vst v63  }
0x3e: {  	_ =	swait.ge [sflag:s26], $0x4000  }
0x3f: {  	[sflag:s26] =	ssyncset.done $0x0  }
0x40: {  	s31 =	sadd.s32 $0x15000, s30;
	[sflag:s26] =	ssyncadd.s32 $0xFFFFC000  }
0x41: {  	[tilespmem:s21], [sflag:$0x2] =	stream.indirect.gather [hbm4b:s1+s17], $0x80, s31, s17, $0xb8;
	[tilespmem:$0x1E480] =	vst v63  }
0x42: {  	_ =	swait.ge [sflag:s22], $0x4000  }
0x43: {  	p0 =	seq.s32 s29, $0x0;
	[sflag:s22] =	ssyncset.done $0x0  }
.Ltmp2:
0x44: {  	s31 =	sadd.s32 $0x16400, s30;
	[sflag:s22] =	ssyncadd.s32 $0xFFFFC000;
	(pc) =	sbr.rel @p0 .LBB2_4-.Ltmp2, $4  }
0x45: {  	[spmem:s3] =	stream.indirect.scatter.add.f32 [tilespmem:s21], [sflag:$0x4], $0x80, s31, s17, $0xb8;
	[tilespmem:$0x1E480] =	vst v63  }
0x46: {  	_ =	swait.ge [sflag:s24], $0x4000  }
0x47: {  	[sflag:s24] =	ssyncset.done $0x0  }
0x48: {  	[sflag:s24] =	ssyncadd.s32 $0xFFFFC000  }
.Ltmp3:
0x49: {  	(pc) =	sbr.rel .LBB2_2-.Ltmp3, $3  }
0x4a: {  	_ =	sdelay $0x1  }
0x4b: {  	s30 =	sadd.s32 $0x15080, s30;
	s29 =	sadd.s32 $0x400, s29  }
0x4c: {  	[tilespmem:s18], [sflag:$0x1] =	stream.indirect.gather [hbm4b:s1+s17], $0x80, s30, s17, $0xb8;
	[tilespmem:$0x1E480] =	vst v63  }
.LBB2_4:
0x4d: {  	_ =	swait.ge [sflag:s26], $0x4000  }
0x4e: {  	[sflag:s26] =	ssyncset.done $0x0  }
0x4f: {  	[sflag:s26] =	ssyncadd.s32 $0xFFFFC000  }
0x50: {  	[tilespmem:s15], [sflag:$0x5] =	stream.linear.gather [hbm4b:s9+s4], $0x1400, $0x38;
	[tilespmem:$0x1E480] =	vst v63  }
0x51: {  	_ =	swait.ge [sflag:s14], $0x1400  }
0x52: {  	[sflag:s14] =	ssyncset.done $0x0  }
0x53: {  	[sflag:s14] =	ssyncadd.s32 $0xFFFFEC00  }
0x54: {  	[tilespmem:s16], [sflag:$0x5] =	stream.linear.gather [hbm4b:s10+s4], $0x1400, $0x38;
	[tilespmem:$0x1E480] =	vst v63  }
0x55: {  	_ =	swait.ge [sflag:s14], $0x1400  }
0x56: {  	[sflag:s14] =	ssyncset.done $0x0  }
0x57: {  	[sflag:s14] =	ssyncadd.s32 $0xFFFFEC00  }
0x58: {  	[tilespmem:s18], [sflag:$0x1] =	stream.indirect.gather [hbm4b:s1+s17], $0x80, s15, s17, $0xb8;
	[tilespmem:$0x1E480] =	vst v63  }
0x59: {  	_ =	swait.ge [sflag:s19], $0x4000  }
0x5a: {  	[sflag:s19] =	ssyncset.done $0x0  }
0x5b: {  	[sflag:s19] =	ssyncadd.s32 $0xFFFFC000  }
0x5c: {  	[spmem:s3] =	stream.indirect.scatter.add.f32 [tilespmem:s18], [sflag:$0x3], $0x80, s16, s17, $0xb8;
	[tilespmem:$0x1E480] =	vst v63  }
0x5d: {  	_ = 	snop  }
0x5e: {  	[tilespmem:s21], [sflag:$0x2] =	stream.indirect.gather [hbm4b:s1+s17], $0x80, s20, s17, $0xb8;
	[tilespmem:$0x1E480] =	vst v63  }
0x5f: {  	_ =	swait.ge [sflag:s22], $0x4000  }
0x60: {  	[sflag:s22] =	ssyncset.done $0x0  }
0x61: {  	[sflag:s22] =	ssyncadd.s32 $0xFFFFC000  }
0x62: {  	[spmem:s3] =	stream.indirect.scatter.add.f32 [tilespmem:s21], [sflag:$0x4], $0x80, s23, s17, $0xb8;
	[tilespmem:$0x1E480] =	vst v63  }
0x63: {  	_ =	swait.ge [sflag:s24], $0x4000  }
0x64: {  	[sflag:s24] =	ssyncset.done $0x0  }
0x65: {  	s29 =	simm.s32 $0xFFFFB800;
	[sflag:s24] =	ssyncadd.s32 $0xFFFFC000  }
0x66: {  	[tilespmem:s18], [sflag:$0x1] =	stream.indirect.gather [hbm4b:s1+s17], $0x80, s25, s17, $0xb8;
	[tilespmem:$0x1E480] =	vst v63  }
.LBB2_5:
0x67: {  	_ =	swait.ge [sflag:s19], $0x4000  }
0x68: {  	s30 =	sshra.s32 s29, $0x2;
	[sflag:s19] =	ssyncset.done $0x0  }
0x69: {  	s31 =	sadd.s32 $0x16380, s30;
	[sflag:s19] =	ssyncadd.s32 $0xFFFFC000  }
0x6a: {  	[spmem:s3] =	stream.indirect.scatter.add.f32 [tilespmem:s18], [sflag:$0x3], $0x80, s31, s17, $0xb8;
	[tilespmem:$0x1E480] =	vst v63  }
0x6b: {  	_ =	swait.ge [sflag:s26], $0x4000  }
0x6c: {  	[sflag:s26] =	ssyncset.done $0x0  }
0x6d: {  	s31 =	sadd.s32 $0x15000, s30;
	[sflag:s26] =	ssyncadd.s32 $0xFFFFC000  }
0x6e: {  	[tilespmem:s21], [sflag:$0x2] =	stream.indirect.gather [hbm4b:s1+s17], $0x80, s31, s17, $0xb8;
	[tilespmem:$0x1E480] =	vst v63  }
0x6f: {  	_ =	swait.ge [sflag:s22], $0x4000  }
0x70: {  	p0 =	seq.s32 s29, $0x0;
	[sflag:s22] =	ssyncset.done $0x0  }
.Ltmp4:
0x71: {  	s31 =	sadd.s32 $0x16400, s30;
	[sflag:s22] =	ssyncadd.s32 $0xFFFFC000;
	(pc) =	sbr.rel @p0 .LBB2_7-.Ltmp4, $4  }
0x72: {  	[spmem:s3] =	stream.indirect.scatter.add.f32 [tilespmem:s21], [sflag:$0x4], $0x80, s31, s17, $0xb8;
	[tilespmem:$0x1E480] =	vst v63  }
0x73: {  	_ =	swait.ge [sflag:s24], $0x4000  }
0x74: {  	[sflag:s24] =	ssyncset.done $0x0  }
0x75: {  	[sflag:s24] =	ssyncadd.s32 $0xFFFFC000  }
.Ltmp5:
0x76: {  	(pc) =	sbr.rel .LBB2_5-.Ltmp5, $3  }
0x77: {  	_ =	sdelay $0x1  }
0x78: {  	s30 =	sadd.s32 $0x15080, s30;
	s29 =	sadd.s32 $0x400, s29  }
0x79: {  	[tilespmem:s18], [sflag:$0x1] =	stream.indirect.gather [hbm4b:s1+s17], $0x80, s30, s17, $0xb8;
	[tilespmem:$0x1E480] =	vst v63  }
.LBB2_8:
0x7a: {  	_ =	sfence.sel $0x180000  }
0x7b: {  	[bflag:$0x0] =	sbarrier.arrive $0xFFFF  }
0x7c: {  	p0 =	sne.s32 s2, $0x0;
	_ =	strace $0x90000047  }
0x7d: {  	s0 =	sadd.s32 @!p0 $0x100000, s0;
	[bflag:$0x2] =	sbarrier.arrive $0xFFFF  }
0x7e: {  	[sflag:s0] =	ssyncadd.tile.s32 @!p0 $0x1;
	_ =	shalt  }
.Lfunc_end2:
_tile_overlayer_lowered:
.L_overlay_start_2:
0x7f: {  	(tag) =	ssettag $0x2  }
0x80: {  	s0 =	rddreg [dreg:$0x0];
	s2 =	stileid.u32  }
0x81: {  	s1 =	rddreg [dreg:$0x1];
	p0 =	sne.s32 s2, $0x0  }
0x82: {  	s3 =	rddreg [dreg:$0x2];
	[bflag:$0x3] =	sbarrier.arrive $0xFFFF;
	s2 =	simm.s32 @!p0 $0x1C05  }
0x83: {  	[timem:s3], [sflag:s2] =	dma.local @!p0 [hbm:s0], s1  }
0x84: {  	s0 =	simm.s32 @!p0 $0x5  }
0x85: {  	_ =	swait.ge @!p0 [sflag:s0], s1  }
0x86: {  	s1 =	ssub.s32 @!p0 $0x0, s1;
	[sflag:s0] =	ssyncset.done @!p0 $0x0  }
0x87: {  	[sflag:s0] =	ssyncadd.s32 @!p0 s1  }
0x88: {  	[bflag:$0x3] =	sbarrier.arrive $0xFFFF  }
0x89: {  	_ =	shalt  }

</sc_bundles>
